<compile_context>
chip_gen: v7x
topology: tpu7x:2x2x1
jax: 0.10.2.dev20260603
libtpu: 0.0.44.dev20260713+nightly
codegen_flags: <defaults>
</compile_context>

<pallas_src>
import functools

import jax
import jax.numpy as jnp
from jax import lax
from jax.experimental import pallas as pl
from jax.experimental.pallas import tpu as pltpu
from jax.experimental.pallas import tpu_sc as plsc

HIST = 200
EMB = 64
OUT_COLS = EMB + 1
ROWS_PER_WORKER = 8
NUM_WORKERS = HIST // ROWS_PER_WORKER
BLOCK = ROWS_PER_WORKER * OUT_COLS
TILE = 128


def _make_sc_lookup():
    mesh = plsc.VectorSubcoreMesh(core_axis_name="c", subcore_axis_name="s")

    @functools.partial(
        pl.kernel,
        mesh=mesh,
        compiler_params=pltpu.CompilerParams(needs_layout_passes=False),
        out_type=jax.ShapeDtypeStruct((HIST * OUT_COLS,), jnp.float32),
        scratch_types=[
            pltpu.VMEM((16,), jnp.int32),
            pltpu.VMEM((16,), jnp.int32),
            pltpu.VMEM((ROWS_PER_WORKER, EMB, TILE), jnp.float32),
            pltpu.VMEM((BLOCK + 16,), jnp.float32),
            pltpu.SemaphoreType.DMA,
            pltpu.SemaphoreType.DMA((ROWS_PER_WORKER,)),
        ],
    )
    def sc_lookup(st_flat_hbm, tableT_hbm, out_hbm, idx_v, marks_v, bufs_v,
                  out_v, sem, sems):
        wid = lax.axis_index("s") * 2 + lax.axis_index("c")

        @pl.when(wid < NUM_WORKERS)
        def _():
            base = wid * ROWS_PER_WORKER
            c_idx = pltpu.async_copy(
                st_flat_hbm.at[pl.ds(base, ROWS_PER_WORKER)],
                idx_v.at[pl.ds(0, ROWS_PER_WORKER)], sem)
            c_marks = pltpu.async_copy(
                st_flat_hbm.at[pl.ds(HIST + base, ROWS_PER_WORKER)],
                marks_v.at[pl.ds(0, ROWS_PER_WORKER)], sem)
            c_idx.wait()
            idxs = idx_v[...]
            copies = []
            for i in range(ROWS_PER_WORKER):
                tile_base = pl.multiple_of((idxs[i] // TILE) * TILE, TILE)
                copies.append(pltpu.async_copy(
                    tableT_hbm.at[:, pl.ds(tile_base, TILE)],
                    bufs_v.at[i], sems.at[i]))
            c_marks.wait()
            lane = lax.iota(jnp.int32, 16)
            marks_f = marks_v[...].astype(jnp.float32)
            for i in range(ROWS_PER_WORKER):
                copies[i].wait()
                rm = jnp.full((16,), idxs[i] % TILE, jnp.int32)
                for j in range(EMB // 16):
                    vals = plsc.load_gather(bufs_v.at[i],
                                            [lane + 16 * j, rm])
                    out_v[pl.ds(i * OUT_COLS + 16 * j, 16)] = vals
                win = out_v[pl.ds(i * OUT_COLS + EMB, 16)]
                out_v[pl.ds(i * OUT_COLS + EMB, 16)] = jnp.where(
                    lane == 0, marks_f[i], win)
            pltpu.sync_copy(out_v.at[pl.ds(0, BLOCK)],
                            out_hbm.at[pl.ds(base * OUT_COLS, BLOCK)])

    return sc_lookup


_sc_lookup = _make_sc_lookup()


def kernel(st, task_emb, null_mark_emb):
    del null_mark_emb
    st_flat = jnp.reshape(st, (2 * HIST,)).astype(jnp.int32)
    out_flat = _sc_lookup(st_flat, task_emb.T)
    return jnp.reshape(out_flat, (1, HIST, OUT_COLS))

# --- scband reference (transcript-rebuilt; emitter-appended) ---
"""Pipeline reference for scband-embedded-tasks-3006477107506 (READ-ONLY COPY).

The authoritative reference and input builder live on the scoring server;
editing this copy changes nothing except your own understanding.
"""

import jax, jax.numpy as jnp
import numpy as np

NTASKS = 1000000
EMB = 64
HIST = 200

def setup_inputs(seed: int = 0) -> dict:
    key = jax.random.key(seed)
    k0, k1, k2 = jax.random.split(key, 3)
    # st: row 0 = task ids, row 1 = marks; module takes a single [2, L] tensor.
    # L == required_history so the padding loop in call() executes zero times.
    st = jax.random.randint(k0, (2, HIST), 0, NTASKS + 1)
    # Embedding table for nTasks+1 entries (last row is the null task id)
    task_emb = jax.random.normal(k1, (NTASKS + 1, EMB), dtype=jnp.float32) * 0.05
    # null_mark_emb: Embedding(1, 1) table (only used when padding is needed)
    null_mark_emb = jax.random.normal(k2, (1, 1), dtype=jnp.float32) * 0.05
    return {"st": st, "task_emb": task_emb, "null_mark_emb": null_mark_emb}

def reference(st, task_emb, null_mark_emb):
    # required_history - st.shape[1] == 0, so no padding iterations.
    # emb_tasks = self.task_emb(st[0])
    emb_tasks = jnp.take(task_emb, st[0], axis=0)  # [HIST, EMB]
    # res = expand_dims(concat([emb_tasks, reshape(st[1], (-1,1))], 1), 0)
    marks = jnp.reshape(st[1], (-1, 1)).astype(emb_tasks.dtype)  # [HIST, 1]
    res = jnp.expand_dims(jnp.concatenate([emb_tasks, marks], axis=1), 0)  # [1, HIST, EMB+1]
    return res

if __name__ == "__main__":
    import jax
    _d = setup_inputs()
    print(jax.jit(kernel)(*tuple(_d.values())))

</pallas_src>

<mosaic_0001>
#map = affine_map<(d0, d1) -> (0)>
#map1 = affine_map<(d0, d1) -> (0, 0)>
module attributes {stable_mosaic.version = 14 : i64} {
  func.func @sc_lookup(%arg0: i32, %arg1: i32, %arg2: memref<400xi32, #tpu.memory_space<hbm>>, %arg3: memref<64x1000001xf32, #tpu.memory_space<hbm>>, %arg4: memref<13000xf32, #tpu.memory_space<hbm>>, %arg5: memref<16xi32, #tpu.memory_space<vmem>>, %arg6: memref<16xi32, #tpu.memory_space<vmem>>, %arg7: memref<8x64x128xf32, #tpu.memory_space<vmem>>, %arg8: memref<536xf32, #tpu.memory_space<vmem>>, %arg9: memref<!tpu.dma_semaphore, #tpu.memory_space<semaphore_mem>>, %arg10: memref<8x!tpu.dma_semaphore, #tpu.memory_space<semaphore_mem>>) attributes {dimension_semantics = [#tpu.dimension_semantics<core_parallel>, #tpu.dimension_semantics<subcore_parallel>], iteration_bounds = array<i64: 2, 16>, scalar_prefetch = 0 : i64, scratch_operands = 6 : i64, tpu.core_type = #tpu.core_type<sc_vector_subcore>, window_params = [{transform_indices = #map}, {transform_indices = #map1}, {transform_indices = #map}]} {
    %mul3A = arith.constant 2 : i32
    %mul3A_0 = arith.muli %arg1, %mul3A : i32
    %add3A = arith.addi %mul3A_0, %arg0 : i32
    %lt3A = arith.constant 25 : i32
    %lt3A_1 = arith.cmpi slt, %add3A, %lt3A : i32
    %convert_element_type3A = arith.extui %lt3A_1 : i1 to i32
    %cond3A = arith.constant 0 : i32
    %cond3A_2 = arith.cmpi ne, %convert_element_type3A, %cond3A : i32
    scf.if %cond3A_2 {
      %mul3A_3 = arith.constant 8 : i32
      %mul3A_4 = arith.muli %add3A, %mul3A_3 : i32
      %dma_start3A = arith.constant 0 : i32
      %dma_start3A_5 = tpu.memref_slice %arg5[%dma_start3A] : memref<16xi32, #tpu.memory_space<vmem>> -> memref<8xi32, #tpu.memory_space<vmem>>
      %dma_start3A_6 = tpu.memref_slice %arg2[%mul3A_4] : memref<400xi32, #tpu.memory_space<hbm>> -> memref<8xi32, #tpu.memory_space<hbm>>
      %dma_start3A_7 = arith.constant 0 : i32
      %dma_start3A_8 = tpu.memref_slice %arg5[%dma_start3A_7] : memref<16xi32, #tpu.memory_space<vmem>> -> memref<8xi32, #tpu.memory_space<vmem>>
      %dma_start3A_9 = tpu.memref_slice %arg2[%mul3A_4] : memref<400xi32, #tpu.memory_space<hbm>> -> memref<8xi32, #tpu.memory_space<hbm>>
      tpu.enqueue_dma source(%dma_start3A_9 : memref<8xi32, #tpu.memory_space<hbm>>) target(%dma_start3A_8 : memref<8xi32, #tpu.memory_space<vmem>>) target_semaphore(%arg9 : memref<!tpu.dma_semaphore, #tpu.memory_space<semaphore_mem>>)
      %add3A_10 = arith.constant 200 : i32
      %add3A_11 = arith.addi %add3A_10, %mul3A_4 : i32
      %dma_start3A_12 = arith.constant 0 : i32
      %dma_start3A_13 = tpu.memref_slice %arg6[%dma_start3A_12] : memref<16xi32, #tpu.memory_space<vmem>> -> memref<8xi32, #tpu.memory_space<vmem>>
      %dma_start3A_14 = tpu.memref_slice %arg2[%add3A_11] : memref<400xi32, #tpu.memory_space<hbm>> -> memref<8xi32, #tpu.memory_space<hbm>>
      %dma_start3A_15 = arith.constant 0 : i32
      %dma_start3A_16 = tpu.memref_slice %arg6[%dma_start3A_15] : memref<16xi32, #tpu.memory_space<vmem>> -> memref<8xi32, #tpu.memory_space<vmem>>
      %dma_start3A_17 = tpu.memref_slice %arg2[%add3A_11] : memref<400xi32, #tpu.memory_space<hbm>> -> memref<8xi32, #tpu.memory_space<hbm>>
      tpu.enqueue_dma source(%dma_start3A_17 : memref<8xi32, #tpu.memory_space<hbm>>) target(%dma_start3A_16 : memref<8xi32, #tpu.memory_space<vmem>>) target_semaphore(%arg9 : memref<!tpu.dma_semaphore, #tpu.memory_space<semaphore_mem>>)
      %dma_wait3A = arith.constant 0 : i32
      %dma_wait3A_18 = tpu.memref_slice %arg5[%dma_wait3A] : memref<16xi32, #tpu.memory_space<vmem>> -> memref<8xi32, #tpu.memory_space<vmem>>
      %dma_wait3A_19 = tpu.memref_slice %arg2[%mul3A_4] : memref<400xi32, #tpu.memory_space<hbm>> -> memref<8xi32, #tpu.memory_space<hbm>>
      %dma_wait3A_20 = arith.constant 0 : i32
      %dma_wait3A_21 = tpu.memref_slice %arg5[%dma_wait3A_20] : memref<16xi32, #tpu.memory_space<vmem>> -> memref<8xi32, #tpu.memory_space<vmem>>
      %dma_wait3A_22 = tpu.memref_slice %arg2[%mul3A_4] : memref<400xi32, #tpu.memory_space<hbm>> -> memref<8xi32, #tpu.memory_space<hbm>>
      tpu.wait_dma2 semaphore(%arg9 : memref<!tpu.dma_semaphore, #tpu.memory_space<semaphore_mem>>) src(%dma_wait3A_22 : memref<8xi32, #tpu.memory_space<hbm>>) dst(%dma_wait3A_21 : memref<8xi32, #tpu.memory_space<vmem>>)
      %get3A = arith.constant 0 : index
      %get3A_23 = tpu.vector_load %arg5[%get3A] {strides = array<i32>} : memref<16xi32, #tpu.memory_space<vmem>>, vector<16xi32>,
      %slice3A = vector.extract_strided_slice %get3A_23 {offsets = [0], sizes = [1], strides = [1]} : vector<16xi32> to vector<1xi32>
      %squeeze3A = vector.extract %slice3A[0] : i32 from vector<1xi32>
      %jit3A = arith.constant 128 : i32
      %div3A = arith.divsi %squeeze3A, %jit3A : i32
      %sign3A = arith.constant 0 : i32
      %sign3A_24 = arith.cmpi sgt, %squeeze3A, %sign3A : i32
      %sign3A_25 = arith.extui %sign3A_24 : i1 to i32
      %sign3A_26 = arith.constant 0 : i32
      %sign3A_27 = arith.cmpi slt, %squeeze3A, %sign3A_26 : i32
      %sign3A_28 = arith.extui %sign3A_27 : i1 to i32
      %sign3A_29 = arith.subi %sign3A_25, %sign3A_28 : i32
      %sign3A_30 = arith.constant 0 : i32
      %sign3A_31 = arith.cmpi sgt, %jit3A, %sign3A_30 : i32
      %sign3A_32 = arith.extui %sign3A_31 : i1 to i32
      %sign3A_33 = arith.constant 0 : i32
      %sign3A_34 = arith.cmpi slt, %jit3A, %sign3A_33 : i32
      %sign3A_35 = arith.extui %sign3A_34 : i1 to i32
      %sign3A_36 = arith.subi %sign3A_32, %sign3A_35 : i32
      %ne3A = arith.cmpi ne, %sign3A_29, %sign3A_36 : i32
      %rem3A = arith.remsi %squeeze3A, %jit3A : i32
      %ne3A_37 = arith.constant 0 : i32
      %ne3A_38 = arith.cmpi ne, %rem3A, %ne3A_37 : i32
      %and3A = arith.andi %ne3A, %ne3A_38 : i1
      %sub3A = arith.constant 1 : i32
      %sub3A_39 = arith.subi %div3A, %sub3A : i32
      %select_n3A = arith.select %and3A, %sub3A_39, %div3A : i32
      %mul3A_40 = arith.constant 128 : i32
      %mul3A_41 = arith.muli %select_n3A, %mul3A_40 : i32
      %multiple_of3A = tpu.assume_multiple %mul3A_41, 128 : i32
      %dma_start3A_42 = arith.constant 0 : i32
      %dma_start3A_43 = arith.constant 0 : i32
      %dma_start3A_44 = arith.constant 0 : i32
      %dma_start3A_45 = arith.constant 0 : i32
      %dma_start3A_46 = tpu.memref_slice %arg7[%dma_start3A_42, %dma_start3A_44, %dma_start3A_45] : memref<8x64x128xf32, #tpu.memory_space<vmem>> -> memref<1x64x128xf32, #tpu.memory_space<vmem>>
      %dma_start3A_47 = tpu.memref_squeeze %dma_start3A_46 : memref<1x64x128xf32, #tpu.memory_space<vmem>> -> memref<64x128xf32, #tpu.memory_space<vmem>>
      %dma_start3A_48 = arith.constant 0 : i32
      %dma_start3A_49 = tpu.memref_slice %arg3[%dma_start3A_48, %multiple_of3A] : memref<64x1000001xf32, #tpu.memory_space<hbm>> -> memref<64x128xf32, #tpu.memory_space<hbm>>
      %dma_start3A_50 = tpu.memref_slice %arg10[%dma_start3A_43] : memref<8x!tpu.dma_semaphore, #tpu.memory_space<semaphore_mem>> -> memref<1x!tpu.dma_semaphore, #tpu.memory_space<semaphore_mem>>
      %dma_start3A_51 = tpu.memref_squeeze %dma_start3A_50 : memref<1x!tpu.dma_semaphore, #tpu.memory_space<semaphore_mem>> -> memref<!tpu.dma_semaphore, #tpu.memory_space<semaphore_mem>>
      %dma_start3A_52 = arith.constant 0 : i32
      %dma_start3A_53 = arith.constant 0 : i32
      %dma_start3A_54 = tpu.memref_slice %arg7[%dma_start3A_42, %dma_start3A_52, %dma_start3A_53] : memref<8x64x128xf32, #tpu.memory_space<vmem>> -> memref<1x64x128xf32, #tpu.memory_space<vmem>>
      %dma_start3A_55 = tpu.memref_squeeze %dma_start3A_54 : memref<1x64x128xf32, #tpu.memory_space<vmem>> -> memref<64x128xf32, #tpu.memory_space<vmem>>
      %dma_start3A_56 = arith.constant 0 : i32
      %dma_start3A_57 = tpu.memref_slice %arg3[%dma_start3A_56, %multiple_of3A] : memref<64x1000001xf32, #tpu.memory_space<hbm>> -> memref<64x128xf32, #tpu.memory_space<hbm>>
      tpu.enqueue_dma source(%dma_start3A_57 : memref<64x128xf32, #tpu.memory_space<hbm>>) target(%dma_start3A_55 : memref<64x128xf32, #tpu.memory_space<vmem>>) target_semaphore(%dma_start3A_51 : memref<!tpu.dma_semaphore, #tpu.memory_space<semaphore_mem>>)
      %slice3A_58 = vector.extract_strided_slice %get3A_23 {offsets = [1], sizes = [1], strides = [1]} : vector<16xi32> to vector<1xi32>
      %squeeze3A_59 = vector.extract %slice3A_58[0] : i32 from vector<1xi32>
      %jit3A_60 = arith.constant 128 : i32
      %div3A_61 = arith.divsi %squeeze3A_59, %jit3A_60 : i32
      %sign3A_62 = arith.constant 0 : i32
      %sign3A_63 = arith.cmpi sgt, %squeeze3A_59, %sign3A_62 : i32
      %sign3A_64 = arith.extui %sign3A_63 : i1 to i32
      %sign3A_65 = arith.constant 0 : i32
      %sign3A_66 = arith.cmpi slt, %squeeze3A_59, %sign3A_65 : i32
      %sign3A_67 = arith.extui %sign3A_66 : i1 to i32
      %sign3A_68 = arith.subi %sign3A_64, %sign3A_67 : i32
      %sign3A_69 = arith.constant 0 : i32
      %sign3A_70 = arith.cmpi sgt, %jit3A_60, %sign3A_69 : i32
      %sign3A_71 = arith.extui %sign3A_70 : i1 to i32
      %sign3A_72 = arith.constant 0 : i32
      %sign3A_73 = arith.cmpi slt, %jit3A_60, %sign3A_72 : i32
      %sign3A_74 = arith.extui %sign3A_73 : i1 to i32
      %sign3A_75 = arith.subi %sign3A_71, %sign3A_74 : i32
      %ne3A_76 = arith.cmpi ne, %sign3A_68, %sign3A_75 : i32
      %rem3A_77 = arith.remsi %squeeze3A_59, %jit3A_60 : i32
      %ne3A_78 = arith.constant 0 : i32
      %ne3A_79 = arith.cmpi ne, %rem3A_77, %ne3A_78 : i32
      %and3A_80 = arith.andi %ne3A_76, %ne3A_79 : i1
      %sub3A_81 = arith.constant 1 : i32
      %sub3A_82 = arith.subi %div3A_61, %sub3A_81 : i32
      %select_n3A_83 = arith.select %and3A_80, %sub3A_82, %div3A_61 : i32
      %mul3A_84 = arith.constant 128 : i32
      %mul3A_85 = arith.muli %select_n3A_83, %mul3A_84 : i32
      %multiple_of3A_86 = tpu.assume_multiple %mul3A_85, 128 : i32
      %dma_start3A_87 = arith.constant 1 : i32
      %dma_start3A_88 = arith.constant 1 : i32
      %dma_start3A_89 = arith.constant 0 : i32
      %dma_start3A_90 = arith.constant 0 : i32
      %dma_start3A_91 = tpu.memref_slice %arg7[%dma_start3A_87, %dma_start3A_89, %dma_start3A_90] : memref<8x64x128xf32, #tpu.memory_space<vmem>> -> memref<1x64x128xf32, #tpu.memory_space<vmem>>
      %dma_start3A_92 = tpu.memref_squeeze %dma_start3A_91 : memref<1x64x128xf32, #tpu.memory_space<vmem>> -> memref<64x128xf32, #tpu.memory_space<vmem>>
      %dma_start3A_93 = arith.constant 0 : i32
      %dma_start3A_94 = tpu.memref_slice %arg3[%dma_start3A_93, %multiple_of3A_86] : memref<64x1000001xf32, #tpu.memory_space<hbm>> -> memref<64x128xf32, #tpu.memory_space<hbm>>
      %dma_start3A_95 = tpu.memref_slice %arg10[%dma_start3A_88] : memref<8x!tpu.dma_semaphore, #tpu.memory_space<semaphore_mem>> -> memref<1x!tpu.dma_semaphore, #tpu.memory_space<semaphore_mem>>
      %dma_start3A_96 = tpu.memref_squeeze %dma_start3A_95 : memref<1x!tpu.dma_semaphore, #tpu.memory_space<semaphore_mem>> -> memref<!tpu.dma_semaphore, #tpu.memory_space<semaphore_mem>>
      %dma_start3A_97 = arith.constant 0 : i32
      %dma_start3A_98 = arith.constant 0 : i32
      %dma_start3A_99 = tpu.memref_slice %arg7[%dma_start3A_87, %dma_start3A_97, %dma_start3A_98] : memref<8x64x128xf32, #tpu.memory_space<vmem>> -> memref<1x64x128xf32, #tpu.memory_space<vmem>>
      %dma_start3A_100 = tpu.memref_squeeze %dma_start3A_99 : memref<1x64x128xf32, #tpu.memory_space<vmem>> -> memref<64x128xf32, #tpu.memory_space<vmem>>
      %dma_start3A_101 = arith.constant 0 : i32
      %dma_start3A_102 = tpu.memref_slice %arg3[%dma_start3A_101, %multiple_of3A_86] : memref<64x1000001xf32, #tpu.memory_space<hbm>> -> memref<64x128xf32, #tpu.memory_space<hbm>>
      tpu.enqueue_dma source(%dma_start3A_102 : memref<64x128xf32, #tpu.memory_space<hbm>>) target(%dma_start3A_100 : memref<64x128xf32, #tpu.memory_space<vmem>>) target_semaphore(%dma_start3A_96 : memref<!tpu.dma_semaphore, #tpu.memory_space<semaphore_mem>>)
      %slice3A_103 = vector.extract_strided_slice %get3A_23 {offsets = [2], sizes = [1], strides = [1]} : vector<16xi32> to vector<1xi32>
      %squeeze3A_104 = vector.extract %slice3A_103[0] : i32 from vector<1xi32>
      %jit3A_105 = arith.constant 128 : i32
      %div3A_106 = arith.divsi %squeeze3A_104, %jit3A_105 : i32
      %sign3A_107 = arith.constant 0 : i32
      %sign3A_108 = arith.cmpi sgt, %squeeze3A_104, %sign3A_107 : i32
      %sign3A_109 = arith.extui %sign3A_108 : i1 to i32
      %sign3A_110 = arith.constant 0 : i32
      %sign3A_111 = arith.cmpi slt, %squeeze3A_104, %sign3A_110 : i32
      %sign3A_112 = arith.extui %sign3A_111 : i1 to i32
      %sign3A_113 = arith.subi %sign3A_109, %sign3A_112 : i32
      %sign3A_114 = arith.constant 0 : i32
      %sign3A_115 = arith.cmpi sgt, %jit3A_105, %sign3A_114 : i32
      %sign3A_116 = arith.extui %sign3A_115 : i1 to i32
      %sign3A_117 = arith.constant 0 : i32
      %sign3A_118 = arith.cmpi slt, %jit3A_105, %sign3A_117 : i32
      %sign3A_119 = arith.extui %sign3A_118 : i1 to i32
      %sign3A_120 = arith.subi %sign3A_116, %sign3A_119 : i32
      %ne3A_121 = arith.cmpi ne, %sign3A_113, %sign3A_120 : i32
      %rem3A_122 = arith.remsi %squeeze3A_104, %jit3A_105 : i32
      %ne3A_123 = arith.constant 0 : i32
      %ne3A_124 = arith.cmpi ne, %rem3A_122, %ne3A_123 : i32
      %and3A_125 = arith.andi %ne3A_121, %ne3A_124 : i1
      %sub3A_126 = arith.constant 1 : i32
      %sub3A_127 = arith.subi %div3A_106, %sub3A_126 : i32
      %select_n3A_128 = arith.select %and3A_125, %sub3A_127, %div3A_106 : i32
      %mul3A_129 = arith.constant 128 : i32
      %mul3A_130 = arith.muli %select_n3A_128, %mul3A_129 : i32
      %multiple_of3A_131 = tpu.assume_multiple %mul3A_130, 128 : i32
      %dma_start3A_132 = arith.constant 2 : i32
      %dma_start3A_133 = arith.constant 2 : i32
      %dma_start3A_134 = arith.constant 0 : i32
      %dma_start3A_135 = arith.constant 0 : i32
      %dma_start3A_136 = tpu.memref_slice %arg7[%dma_start3A_132, %dma_start3A_134, %dma_start3A_135] : memref<8x64x128xf32, #tpu.memory_space<vmem>> -> memref<1x64x128xf32, #tpu.memory_space<vmem>>
      %dma_start3A_137 = tpu.memref_squeeze %dma_start3A_136 : memref<1x64x128xf32, #tpu.memory_space<vmem>> -> memref<64x128xf32, #tpu.memory_space<vmem>>
      %dma_start3A_138 = arith.constant 0 : i32
      %dma_start3A_139 = tpu.memref_slice %arg3[%dma_start3A_138, %multiple_of3A_131] : memref<64x1000001xf32, #tpu.memory_space<hbm>> -> memref<64x128xf32, #tpu.memory_space<hbm>>
      %dma_start3A_140 = tpu.memref_slice %arg10[%dma_start3A_133] : memref<8x!tpu.dma_semaphore, #tpu.memory_space<semaphore_mem>> -> memref<1x!tpu.dma_semaphore, #tpu.memory_space<semaphore_mem>>
      %dma_start3A_141 = tpu.memref_squeeze %dma_start3A_140 : memref<1x!tpu.dma_semaphore, #tpu.memory_space<semaphore_mem>> -> memref<!tpu.dma_semaphore, #tpu.memory_space<semaphore_mem>>
      %dma_start3A_142 = arith.constant 0 : i32
      %dma_start3A_143 = arith.constant 0 : i32
      %dma_start3A_144 = tpu.memref_slice %arg7[%dma_start3A_132, %dma_start3A_142, %dma_start3A_143] : memref<8x64x128xf32, #tpu.memory_space<vmem>> -> memref<1x64x128xf32, #tpu.memory_space<vmem>>
      %dma_start3A_145 = tpu.memref_squeeze %dma_start3A_144 : memref<1x64x128xf32, #tpu.memory_space<vmem>> -> memref<64x128xf32, #tpu.memory_space<vmem>>
      %dma_start3A_146 = arith.constant 0 : i32
      %dma_start3A_147 = tpu.memref_slice %arg3[%dma_start3A_146, %multiple_of3A_131] : memref<64x1000001xf32, #tpu.memory_space<hbm>> -> memref<64x128xf32, #tpu.memory_space<hbm>>
      tpu.enqueue_dma source(%dma_start3A_147 : memref<64x128xf32, #tpu.memory_space<hbm>>) target(%dma_start3A_145 : memref<64x128xf32, #tpu.memory_space<vmem>>) target_semaphore(%dma_start3A_141 : memref<!tpu.dma_semaphore, #tpu.memory_space<semaphore_mem>>)
      %slice3A_148 = vector.extract_strided_slice %get3A_23 {offsets = [3], sizes = [1], strides = [1]} : vector<16xi32> to vector<1xi32>
      %squeeze3A_149 = vector.extract %slice3A_148[0] : i32 from vector<1xi32>
      %jit3A_150 = arith.constant 128 : i32
      %div3A_151 = arith.divsi %squeeze3A_149, %jit3A_150 : i32
      %sign3A_152 = arith.constant 0 : i32
      %sign3A_153 = arith.cmpi sgt, %squeeze3A_149, %sign3A_152 : i32
      %sign3A_154 = arith.extui %sign3A_153 : i1 to i32
      %sign3A_155 = arith.constant 0 : i32
      %sign3A_156 = arith.cmpi slt, %squeeze3A_149, %sign3A_155 : i32
      %sign3A_157 = arith.extui %sign3A_156 : i1 to i32
      %sign3A_158 = arith.subi %sign3A_154, %sign3A_157 : i32
      %sign3A_159 = arith.constant 0 : i32
      %sign3A_160 = arith.cmpi sgt, %jit3A_150, %sign3A_159 : i32
      %sign3A_161 = arith.extui %sign3A_160 : i1 to i32
      %sign3A_162 = arith.constant 0 : i32
      %sign3A_163 = arith.cmpi slt, %jit3A_150, %sign3A_162 : i32
      %sign3A_164 = arith.extui %sign3A_163 : i1 to i32
      %sign3A_165 = arith.subi %sign3A_161, %sign3A_164 : i32
      %ne3A_166 = arith.cmpi ne, %sign3A_158, %sign3A_165 : i32
      %rem3A_167 = arith.remsi %squeeze3A_149, %jit3A_150 : i32
      %ne3A_168 = arith.constant 0 : i32
      %ne3A_169 = arith.cmpi ne, %rem3A_167, %ne3A_168 : i32
      %and3A_170 = arith.andi %ne3A_166, %ne3A_169 : i1
      %sub3A_171 = arith.constant 1 : i32
      %sub3A_172 = arith.subi %div3A_151, %sub3A_171 : i32
      %select_n3A_173 = arith.select %and3A_170, %sub3A_172, %div3A_151 : i32
      %mul3A_174 = arith.constant 128 : i32
      %mul3A_175 = arith.muli %select_n3A_173, %mul3A_174 : i32
      %multiple_of3A_176 = tpu.assume_multiple %mul3A_175, 128 : i32
      %dma_start3A_177 = arith.constant 3 : i32
      %dma_start3A_178 = arith.constant 3 : i32
      %dma_start3A_179 = arith.constant 0 : i32
      %dma_start3A_180 = arith.constant 0 : i32
      %dma_start3A_181 = tpu.memref_slice %arg7[%dma_start3A_177, %dma_start3A_179, %dma_start3A_180] : memref<8x64x128xf32, #tpu.memory_space<vmem>> -> memref<1x64x128xf32, #tpu.memory_space<vmem>>
      %dma_start3A_182 = tpu.memref_squeeze %dma_start3A_181 : memref<1x64x128xf32, #tpu.memory_space<vmem>> -> memref<64x128xf32, #tpu.memory_space<vmem>>
      %dma_start3A_183 = arith.constant 0 : i32
      %dma_start3A_184 = tpu.memref_slice %arg3[%dma_start3A_183, %multiple_of3A_176] : memref<64x1000001xf32, #tpu.memory_space<hbm>> -> memref<64x128xf32, #tpu.memory_space<hbm>>
      %dma_start3A_185 = tpu.memref_slice %arg10[%dma_start3A_178] : memref<8x!tpu.dma_semaphore, #tpu.memory_space<semaphore_mem>> -> memref<1x!tpu.dma_semaphore, #tpu.memory_space<semaphore_mem>>
      %dma_start3A_186 = tpu.memref_squeeze %dma_start3A_185 : memref<1x!tpu.dma_semaphore, #tpu.memory_space<semaphore_mem>> -> memref<!tpu.dma_semaphore, #tpu.memory_space<semaphore_mem>>
      %dma_start3A_187 = arith.constant 0 : i32
      %dma_start3A_188 = arith.constant 0 : i32
      %dma_start3A_189 = tpu.memref_slice %arg7[%dma_start3A_177, %dma_start3A_187, %dma_start3A_188] : memref<8x64x128xf32, #tpu.memory_space<vmem>> -> memref<1x64x128xf32, #tpu.memory_space<vmem>>
      %dma_start3A_190 = tpu.memref_squeeze %dma_start3A_189 : memref<1x64x128xf32, #tpu.memory_space<vmem>> -> memref<64x128xf32, #tpu.memory_space<vmem>>
      %dma_start3A_191 = arith.constant 0 : i32
      %dma_start3A_192 = tpu.memref_slice %arg3[%dma_start3A_191, %multiple_of3A_176] : memref<64x1000001xf32, #tpu.memory_space<hbm>> -> memref<64x128xf32, #tpu.memory_space<hbm>>
      tpu.enqueue_dma source(%dma_start3A_192 : memref<64x128xf32, #tpu.memory_space<hbm>>) target(%dma_start3A_190 : memref<64x128xf32, #tpu.memory_space<vmem>>) target_semaphore(%dma_start3A_186 : memref<!tpu.dma_semaphore, #tpu.memory_space<semaphore_mem>>)
      %slice3A_193 = vector.extract_strided_slice %get3A_23 {offsets = [4], sizes = [1], strides = [1]} : vector<16xi32> to vector<1xi32>
      %squeeze3A_194 = vector.extract %slice3A_193[0] : i32 from vector<1xi32>
      %jit3A_195 = arith.constant 128 : i32
      %div3A_196 = arith.divsi %squeeze3A_194, %jit3A_195 : i32
      %sign3A_197 = arith.constant 0 : i32
      %sign3A_198 = arith.cmpi sgt, %squeeze3A_194, %sign3A_197 : i32
      %sign3A_199 = arith.extui %sign3A_198 : i1 to i32
      %sign3A_200 = arith.constant 0 : i32
      %sign3A_201 = arith.cmpi slt, %squeeze3A_194, %sign3A_200 : i32
      %sign3A_202 = arith.extui %sign3A_201 : i1 to i32
      %sign3A_203 = arith.subi %sign3A_199, %sign3A_202 : i32
      %sign3A_204 = arith.constant 0 : i32
      %sign3A_205 = arith.cmpi sgt, %jit3A_195, %sign3A_204 : i32
      %sign3A_206 = arith.extui %sign3A_205 : i1 to i32
      %sign3A_207 = arith.constant 0 : i32
      %sign3A_208 = arith.cmpi slt, %jit3A_195, %sign3A_207 : i32
      %sign3A_209 = arith.extui %sign3A_208 : i1 to i32
      %sign3A_210 = arith.subi %sign3A_206, %sign3A_209 : i32
      %ne3A_211 = arith.cmpi ne, %sign3A_203, %sign3A_210 : i32
      %rem3A_212 = arith.remsi %squeeze3A_194, %jit3A_195 : i32
      %ne3A_213 = arith.constant 0 : i32
      %ne3A_214 = arith.cmpi ne, %rem3A_212, %ne3A_213 : i32
      %and3A_215 = arith.andi %ne3A_211, %ne3A_214 : i1
      %sub3A_216 = arith.constant 1 : i32
      %sub3A_217 = arith.subi %div3A_196, %sub3A_216 : i32
      %select_n3A_218 = arith.select %and3A_215, %sub3A_217, %div3A_196 : i32
      %mul3A_219 = arith.constant 128 : i32
      %mul3A_220 = arith.muli %select_n3A_218, %mul3A_219 : i32
      %multiple_of3A_221 = tpu.assume_multiple %mul3A_220, 128 : i32
      %dma_start3A_222 = arith.constant 4 : i32
      %dma_start3A_223 = arith.constant 4 : i32
      %dma_start3A_224 = arith.constant 0 : i32
      %dma_start3A_225 = arith.constant 0 : i32
      %dma_start3A_226 = tpu.memref_slice %arg7[%dma_start3A_222, %dma_start3A_224, %dma_start3A_225] : memref<8x64x128xf32, #tpu.memory_space<vmem>> -> memref<1x64x128xf32, #tpu.memory_space<vmem>>
      %dma_start3A_227 = tpu.memref_squeeze %dma_start3A_226 : memref<1x64x128xf32, #tpu.memory_space<vmem>> -> memref<64x128xf32, #tpu.memory_space<vmem>>
      %dma_start3A_228 = arith.constant 0 : i32
      %dma_start3A_229 = tpu.memref_slice %arg3[%dma_start3A_228, %multiple_of3A_221] : memref<64x1000001xf32, #tpu.memory_space<hbm>> -> memref<64x128xf32, #tpu.memory_space<hbm>>
      %dma_start3A_230 = tpu.memref_slice %arg10[%dma_start3A_223] : memref<8x!tpu.dma_semaphore, #tpu.memory_space<semaphore_mem>> -> memref<1x!tpu.dma_semaphore, #tpu.memory_space<semaphore_mem>>
      %dma_start3A_231 = tpu.memref_squeeze %dma_start3A_230 : memref<1x!tpu.dma_semaphore, #tpu.memory_space<semaphore_mem>> -> memref<!tpu.dma_semaphore, #tpu.memory_space<semaphore_mem>>
      %dma_start3A_232 = arith.constant 0 : i32
      %dma_start3A_233 = arith.constant 0 : i32
      %dma_start3A_234 = tpu.memref_slice %arg7[%dma_start3A_222, %dma_start3A_232, %dma_start3A_233] : memref<8x64x128xf32, #tpu.memory_space<vmem>> -> memref<1x64x128xf32, #tpu.memory_space<vmem>>
      %dma_start3A_235 = tpu.memref_squeeze %dma_start3A_234 : memref<1x64x128xf32, #tpu.memory_space<vmem>> -> memref<64x128xf32, #tpu.memory_space<vmem>>
      %dma_start3A_236 = arith.constant 0 : i32
      %dma_start3A_237 = tpu.memref_slice %arg3[%dma_start3A_236, %multiple_of3A_221] : memref<64x1000001xf32, #tpu.memory_space<hbm>> -> memref<64x128xf32, #tpu.memory_space<hbm>>
      tpu.enqueue_dma source(%dma_start3A_237 : memref<64x128xf32, #tpu.memory_space<hbm>>) target(%dma_start3A_235 : memref<64x128xf32, #tpu.memory_space<vmem>>) target_semaphore(%dma_start3A_231 : memref<!tpu.dma_semaphore, #tpu.memory_space<semaphore_mem>>)
      %slice3A_238 = vector.extract_strided_slice %get3A_23 {offsets = [5], sizes = [1], strides = [1]} : vector<16xi32> to vector<1xi32>
      %squeeze3A_239 = vector.extract %slice3A_238[0] : i32 from vector<1xi32>
      %jit3A_240 = arith.constant 128 : i32
      %div3A_241 = arith.divsi %squeeze3A_239, %jit3A_240 : i32
      %sign3A_242 = arith.constant 0 : i32
      %sign3A_243 = arith.cmpi sgt, %squeeze3A_239, %sign3A_242 : i32
      %sign3A_244 = arith.extui %sign3A_243 : i1 to i32
      %sign3A_245 = arith.constant 0 : i32
      %sign3A_246 = arith.cmpi slt, %squeeze3A_239, %sign3A_245 : i32
      %sign3A_247 = arith.extui %sign3A_246 : i1 to i32
      %sign3A_248 = arith.subi %sign3A_244, %sign3A_247 : i32
      %sign3A_249 = arith.constant 0 : i32
      %sign3A_250 = arith.cmpi sgt, %jit3A_240, %sign3A_249 : i32
      %sign3A_251 = arith.extui %sign3A_250 : i1 to i32
      %sign3A_252 = arith.constant 0 : i32
      %sign3A_253 = arith.cmpi slt, %jit3A_240, %sign3A_252 : i32
      %sign3A_254 = arith.extui %sign3A_253 : i1 to i32
      %sign3A_255 = arith.subi %sign3A_251, %sign3A_254 : i32
      %ne3A_256 = arith.cmpi ne, %sign3A_248, %sign3A_255 : i32
      %rem3A_257 = arith.remsi %squeeze3A_239, %jit3A_240 : i32
      %ne3A_258 = arith.constant 0 : i32
      %ne3A_259 = arith.cmpi ne, %rem3A_257, %ne3A_258 : i32
      %and3A_260 = arith.andi %ne3A_256, %ne3A_259 : i1
      %sub3A_261 = arith.constant 1 : i32
      %sub3A_262 = arith.subi %div3A_241, %sub3A_261 : i32
      %select_n3A_263 = arith.select %and3A_260, %sub3A_262, %div3A_241 : i32
      %mul3A_264 = arith.constant 128 : i32
      %mul3A_265 = arith.muli %select_n3A_263, %mul3A_264 : i32
      %multiple_of3A_266 = tpu.assume_multiple %mul3A_265, 128 : i32
      %dma_start3A_267 = arith.constant 5 : i32
      %dma_start3A_268 = arith.constant 5 : i32
      %dma_start3A_269 = arith.constant 0 : i32
      %dma_start3A_270 = arith.constant 0 : i32
      %dma_start3A_271 = tpu.memref_slice %arg7[%dma_start3A_267, %dma_start3A_269, %dma_start3A_270] : memref<8x64x128xf32, #tpu.memory_space<vmem>> -> memref<1x64x128xf32, #tpu.memory_space<vmem>>
      %dma_start3A_272 = tpu.memref_squeeze %dma_start3A_271 : memref<1x64x128xf32, #tpu.memory_space<vmem>> -> memref<64x128xf32, #tpu.memory_space<vmem>>
      %dma_start3A_273 = arith.constant 0 : i32
      %dma_start3A_274 = tpu.memref_slice %arg3[%dma_start3A_273, %multiple_of3A_266] : memref<64x1000001xf32, #tpu.memory_space<hbm>> -> memref<64x128xf32, #tpu.memory_space<hbm>>
      %dma_start3A_275 = tpu.memref_slice %arg10[%dma_start3A_268] : memref<8x!tpu.dma_semaphore, #tpu.memory_space<semaphore_mem>> -> memref<1x!tpu.dma_semaphore, #tpu.memory_space<semaphore_mem>>
      %dma_start3A_276 = tpu.memref_squeeze %dma_start3A_275 : memref<1x!tpu.dma_semaphore, #tpu.memory_space<semaphore_mem>> -> memref<!tpu.dma_semaphore, #tpu.memory_space<semaphore_mem>>
      %dma_start3A_277 = arith.constant 0 : i32
      %dma_start3A_278 = arith.constant 0 : i32
      %dma_start3A_279 = tpu.memref_slice %arg7[%dma_start3A_267, %dma_start3A_277, %dma_start3A_278] : memref<8x64x128xf32, #tpu.memory_space<vmem>> -> memref<1x64x128xf32, #tpu.memory_space<vmem>>
      %dma_start3A_280 = tpu.memref_squeeze %dma_start3A_279 : memref<1x64x128xf32, #tpu.memory_space<vmem>> -> memref<64x128xf32, #tpu.memory_space<vmem>>
      %dma_start3A_281 = arith.constant 0 : i32
      %dma_start3A_282 = tpu.memref_slice %arg3[%dma_start3A_281, %multiple_of3A_266] : memref<64x1000001xf32, #tpu.memory_space<hbm>> -> memref<64x128xf32, #tpu.memory_space<hbm>>
      tpu.enqueue_dma source(%dma_start3A_282 : memref<64x128xf32, #tpu.memory_space<hbm>>) target(%dma_start3A_280 : memref<64x128xf32, #tpu.memory_space<vmem>>) target_semaphore(%dma_start3A_276 : memref<!tpu.dma_semaphore, #tpu.memory_space<semaphore_mem>>)
      %slice3A_283 = vector.extract_strided_slice %get3A_23 {offsets = [6], sizes = [1], strides = [1]} : vector<16xi32> to vector<1xi32>
      %squeeze3A_284 = vector.extract %slice3A_283[0] : i32 from vector<1xi32>
      %jit3A_285 = arith.constant 128 : i32
      %div3A_286 = arith.divsi %squeeze3A_284, %jit3A_285 : i32
      %sign3A_287 = arith.constant 0 : i32
      %sign3A_288 = arith.cmpi sgt, %squeeze3A_284, %sign3A_287 : i32
      %sign3A_289 = arith.extui %sign3A_288 : i1 to i32
      %sign3A_290 = arith.constant 0 : i32
      %sign3A_291 = arith.cmpi slt, %squeeze3A_284, %sign3A_290 : i32
      %sign3A_292 = arith.extui %sign3A_291 : i1 to i32
      %sign3A_293 = arith.subi %sign3A_289, %sign3A_292 : i32
      %sign3A_294 = arith.constant 0 : i32
      %sign3A_295 = arith.cmpi sgt, %jit3A_285, %sign3A_294 : i32
      %sign3A_296 = arith.extui %sign3A_295 : i1 to i32
      %sign3A_297 = arith.constant 0 : i32
      %sign3A_298 = arith.cmpi slt, %jit3A_285, %sign3A_297 : i32
      %sign3A_299 = arith.extui %sign3A_298 : i1 to i32
      %sign3A_300 = arith.subi %sign3A_296, %sign3A_299 : i32
      %ne3A_301 = arith.cmpi ne, %sign3A_293, %sign3A_300 : i32
      %rem3A_302 = arith.remsi %squeeze3A_284, %jit3A_285 : i32
      %ne3A_303 = arith.constant 0 : i32
      %ne3A_304 = arith.cmpi ne, %rem3A_302, %ne3A_303 : i32
      %and3A_305 = arith.andi %ne3A_301, %ne3A_304 : i1
      %sub3A_306 = arith.constant 1 : i32
      %sub3A_307 = arith.subi %div3A_286, %sub3A_306 : i32
      %select_n3A_308 = arith.select %and3A_305, %sub3A_307, %div3A_286 : i32
      %mul3A_309 = arith.constant 128 : i32
      %mul3A_310 = arith.muli %select_n3A_308, %mul3A_309 : i32
      %multiple_of3A_311 = tpu.assume_multiple %mul3A_310, 128 : i32
      %dma_start3A_312 = arith.constant 6 : i32
      %dma_start3A_313 = arith.constant 6 : i32
      %dma_start3A_314 = arith.constant 0 : i32
      %dma_start3A_315 = arith.constant 0 : i32
      %dma_start3A_316 = tpu.memref_slice %arg7[%dma_start3A_312, %dma_start3A_314, %dma_start3A_315] : memref<8x64x128xf32, #tpu.memory_space<vmem>> -> memref<1x64x128xf32, #tpu.memory_space<vmem>>
      %dma_start3A_317 = tpu.memref_squeeze %dma_start3A_316 : memref<1x64x128xf32, #tpu.memory_space<vmem>> -> memref<64x128xf32, #tpu.memory_space<vmem>>
      %dma_start3A_318 = arith.constant 0 : i32
      %dma_start3A_319 = tpu.memref_slice %arg3[%dma_start3A_318, %multiple_of3A_311] : memref<64x1000001xf32, #tpu.memory_space<hbm>> -> memref<64x128xf32, #tpu.memory_space<hbm>>
      %dma_start3A_320 = tpu.memref_slice %arg10[%dma_start3A_313] : memref<8x!tpu.dma_semaphore, #tpu.memory_space<semaphore_mem>> -> memref<1x!tpu.dma_semaphore, #tpu.memory_space<semaphore_mem>>
      %dma_start3A_321 = tpu.memref_squeeze %dma_start3A_320 : memref<1x!tpu.dma_semaphore, #tpu.memory_space<semaphore_mem>> -> memref<!tpu.dma_semaphore, #tpu.memory_space<semaphore_mem>>
      %dma_start3A_322 = arith.constant 0 : i32
      %dma_start3A_323 = arith.constant 0 : i32
      %dma_start3A_324 = tpu.memref_slice %arg7[%dma_start3A_312, %dma_start3A_322, %dma_start3A_323] : memref<8x64x128xf32, #tpu.memory_space<vmem>> -> memref<1x64x128xf32, #tpu.memory_space<vmem>>
      %dma_start3A_325 = tpu.memref_squeeze %dma_start3A_324 : memref<1x64x128xf32, #tpu.memory_space<vmem>> -> memref<64x128xf32, #tpu.memory_space<vmem>>
      %dma_start3A_326 = arith.constant 0 : i32
      %dma_start3A_327 = tpu.memref_slice %arg3[%dma_start3A_326, %multiple_of3A_311] : memref<64x1000001xf32, #tpu.memory_space<hbm>> -> memref<64x128xf32, #tpu.memory_space<hbm>>
      tpu.enqueue_dma source(%dma_start3A_327 : memref<64x128xf32, #tpu.memory_space<hbm>>) target(%dma_start3A_325 : memref<64x128xf32, #tpu.memory_space<vmem>>) target_semaphore(%dma_start3A_321 : memref<!tpu.dma_semaphore, #tpu.memory_space<semaphore_mem>>)
      %slice3A_328 = vector.extract_strided_slice %get3A_23 {offsets = [7], sizes = [1], strides = [1]} : vector<16xi32> to vector<1xi32>
      %squeeze3A_329 = vector.extract %slice3A_328[0] : i32 from vector<1xi32>
      %jit3A_330 = arith.constant 128 : i32
      %div3A_331 = arith.divsi %squeeze3A_329, %jit3A_330 : i32
      %sign3A_332 = arith.constant 0 : i32
      %sign3A_333 = arith.cmpi sgt, %squeeze3A_329, %sign3A_332 : i32
      %sign3A_334 = arith.extui %sign3A_333 : i1 to i32
      %sign3A_335 = arith.constant 0 : i32
      %sign3A_336 = arith.cmpi slt, %squeeze3A_329, %sign3A_335 : i32
      %sign3A_337 = arith.extui %sign3A_336 : i1 to i32
      %sign3A_338 = arith.subi %sign3A_334, %sign3A_337 : i32
      %sign3A_339 = arith.constant 0 : i32
      %sign3A_340 = arith.cmpi sgt, %jit3A_330, %sign3A_339 : i32
      %sign3A_341 = arith.extui %sign3A_340 : i1 to i32
      %sign3A_342 = arith.constant 0 : i32
      %sign3A_343 = arith.cmpi slt, %jit3A_330, %sign3A_342 : i32
      %sign3A_344 = arith.extui %sign3A_343 : i1 to i32
      %sign3A_345 = arith.subi %sign3A_341, %sign3A_344 : i32
      %ne3A_346 = arith.cmpi ne, %sign3A_338, %sign3A_345 : i32
      %rem3A_347 = arith.remsi %squeeze3A_329, %jit3A_330 : i32
      %ne3A_348 = arith.constant 0 : i32
      %ne3A_349 = arith.cmpi ne, %rem3A_347, %ne3A_348 : i32
      %and3A_350 = arith.andi %ne3A_346, %ne3A_349 : i1
      %sub3A_351 = arith.constant 1 : i32
      %sub3A_352 = arith.subi %div3A_331, %sub3A_351 : i32
      %select_n3A_353 = arith.select %and3A_350, %sub3A_352, %div3A_331 : i32
      %mul3A_354 = arith.constant 128 : i32
      %mul3A_355 = arith.muli %select_n3A_353, %mul3A_354 : i32
      %multiple_of3A_356 = tpu.assume_multiple %mul3A_355, 128 : i32
      %dma_start3A_357 = arith.constant 7 : i32
      %dma_start3A_358 = arith.constant 7 : i32
      %dma_start3A_359 = arith.constant 0 : i32
      %dma_start3A_360 = arith.constant 0 : i32
      %dma_start3A_361 = tpu.memref_slice %arg7[%dma_start3A_357, %dma_start3A_359, %dma_start3A_360] : memref<8x64x128xf32, #tpu.memory_space<vmem>> -> memref<1x64x128xf32, #tpu.memory_space<vmem>>
      %dma_start3A_362 = tpu.memref_squeeze %dma_start3A_361 : memref<1x64x128xf32, #tpu.memory_space<vmem>> -> memref<64x128xf32, #tpu.memory_space<vmem>>
      %dma_start3A_363 = arith.constant 0 : i32
      %dma_start3A_364 = tpu.memref_slice %arg3[%dma_start3A_363, %multiple_of3A_356] : memref<64x1000001xf32, #tpu.memory_space<hbm>> -> memref<64x128xf32, #tpu.memory_space<hbm>>
      %dma_start3A_365 = tpu.memref_slice %arg10[%dma_start3A_358] : memref<8x!tpu.dma_semaphore, #tpu.memory_space<semaphore_mem>> -> memref<1x!tpu.dma_semaphore, #tpu.memory_space<semaphore_mem>>
      %dma_start3A_366 = tpu.memref_squeeze %dma_start3A_365 : memref<1x!tpu.dma_semaphore, #tpu.memory_space<semaphore_mem>> -> memref<!tpu.dma_semaphore, #tpu.memory_space<semaphore_mem>>
      %dma_start3A_367 = arith.constant 0 : i32
      %dma_start3A_368 = arith.constant 0 : i32
      %dma_start3A_369 = tpu.memref_slice %arg7[%dma_start3A_357, %dma_start3A_367, %dma_start3A_368] : memref<8x64x128xf32, #tpu.memory_space<vmem>> -> memref<1x64x128xf32, #tpu.memory_space<vmem>>
      %dma_start3A_370 = tpu.memref_squeeze %dma_start3A_369 : memref<1x64x128xf32, #tpu.memory_space<vmem>> -> memref<64x128xf32, #tpu.memory_space<vmem>>
      %dma_start3A_371 = arith.constant 0 : i32
      %dma_start3A_372 = tpu.memref_slice %arg3[%dma_start3A_371, %multiple_of3A_356] : memref<64x1000001xf32, #tpu.memory_space<hbm>> -> memref<64x128xf32, #tpu.memory_space<hbm>>
      tpu.enqueue_dma source(%dma_start3A_372 : memref<64x128xf32, #tpu.memory_space<hbm>>) target(%dma_start3A_370 : memref<64x128xf32, #tpu.memory_space<vmem>>) target_semaphore(%dma_start3A_366 : memref<!tpu.dma_semaphore, #tpu.memory_space<semaphore_mem>>)
      %dma_wait3A_373 = arith.constant 0 : i32
      %dma_wait3A_374 = tpu.memref_slice %arg6[%dma_wait3A_373] : memref<16xi32, #tpu.memory_space<vmem>> -> memref<8xi32, #tpu.memory_space<vmem>>
      %dma_wait3A_375 = tpu.memref_slice %arg2[%add3A_11] : memref<400xi32, #tpu.memory_space<hbm>> -> memref<8xi32, #tpu.memory_space<hbm>>
      %dma_wait3A_376 = arith.constant 0 : i32
      %dma_wait3A_377 = tpu.memref_slice %arg6[%dma_wait3A_376] : memref<16xi32, #tpu.memory_space<vmem>> -> memref<8xi32, #tpu.memory_space<vmem>>
      %dma_wait3A_378 = tpu.memref_slice %arg2[%add3A_11] : memref<400xi32, #tpu.memory_space<hbm>> -> memref<8xi32, #tpu.memory_space<hbm>>
      tpu.wait_dma2 semaphore(%arg9 : memref<!tpu.dma_semaphore, #tpu.memory_space<semaphore_mem>>) src(%dma_wait3A_378 : memref<8xi32, #tpu.memory_space<hbm>>) dst(%dma_wait3A_377 : memref<8xi32, #tpu.memory_space<vmem>>)
      %iota3A = tpu.iota {dimensions = array<i32: 0>} : vector<16xi32>
      %get3A_379 = arith.constant 0 : index
      %get3A_380 = tpu.vector_load %arg6[%get3A_379] {strides = array<i32>} : memref<16xi32, #tpu.memory_space<vmem>>, vector<16xi32>,
      %convert_element_type3A_381 = arith.sitofp %get3A_380 : vector<16xi32> to vector<16xf32>
      %dma_wait3A_382 = arith.constant 0 : i32
      %dma_wait3A_383 = arith.constant 0 : i32
      %dma_wait3A_384 = arith.constant 0 : i32
      %dma_wait3A_385 = arith.constant 0 : i32
      %dma_wait3A_386 = tpu.memref_slice %arg7[%dma_wait3A_382, %dma_wait3A_384, %dma_wait3A_385] : memref<8x64x128xf32, #tpu.memory_space<vmem>> -> memref<1x64x128xf32, #tpu.memory_space<vmem>>
      %dma_wait3A_387 = tpu.memref_squeeze %dma_wait3A_386 : memref<1x64x128xf32, #tpu.memory_space<vmem>> -> memref<64x128xf32, #tpu.memory_space<vmem>>
      %dma_wait3A_388 = arith.constant 0 : i32
      %dma_wait3A_389 = tpu.memref_slice %arg3[%dma_wait3A_388, %multiple_of3A] : memref<64x1000001xf32, #tpu.memory_space<hbm>> -> memref<64x128xf32, #tpu.memory_space<hbm>>
      %dma_wait3A_390 = tpu.memref_slice %arg10[%dma_wait3A_383] : memref<8x!tpu.dma_semaphore, #tpu.memory_space<semaphore_mem>> -> memref<1x!tpu.dma_semaphore, #tpu.memory_space<semaphore_mem>>
      %dma_wait3A_391 = tpu.memref_squeeze %dma_wait3A_390 : memref<1x!tpu.dma_semaphore, #tpu.memory_space<semaphore_mem>> -> memref<!tpu.dma_semaphore, #tpu.memory_space<semaphore_mem>>
      %dma_wait3A_392 = arith.constant 0 : i32
      %dma_wait3A_393 = arith.constant 0 : i32
      %dma_wait3A_394 = tpu.memref_slice %arg7[%dma_wait3A_382, %dma_wait3A_392, %dma_wait3A_393] : memref<8x64x128xf32, #tpu.memory_space<vmem>> -> memref<1x64x128xf32, #tpu.memory_space<vmem>>
      %dma_wait3A_395 = tpu.memref_squeeze %dma_wait3A_394 : memref<1x64x128xf32, #tpu.memory_space<vmem>> -> memref<64x128xf32, #tpu.memory_space<vmem>>
      %dma_wait3A_396 = arith.constant 0 : i32
      %dma_wait3A_397 = tpu.memref_slice %arg3[%dma_wait3A_396, %multiple_of3A] : memref<64x1000001xf32, #tpu.memory_space<hbm>> -> memref<64x128xf32, #tpu.memory_space<hbm>>
      tpu.wait_dma2 semaphore(%dma_wait3A_391 : memref<!tpu.dma_semaphore, #tpu.memory_space<semaphore_mem>>) src(%dma_wait3A_397 : memref<64x128xf32, #tpu.memory_space<hbm>>) dst(%dma_wait3A_395 : memref<64x128xf32, #tpu.memory_space<vmem>>)
      %slice3A_398 = vector.extract_strided_slice %get3A_23 {offsets = [0], sizes = [1], strides = [1]} : vector<16xi32> to vector<1xi32>
      %squeeze3A_399 = vector.extract %slice3A_398[0] : i32 from vector<1xi32>
      %jit3A_400 = arith.constant 128 : i32
      %eq3A = arith.constant 0 : i32
      %eq3A_401 = arith.cmpi eq, %jit3A_400, %eq3A : i32
      %jit3A_402 = arith.constant 1 : i32
      %select_n3A_403 = arith.select %eq3A_401, %jit3A_402, %jit3A_400 : i32
      %rem3A_404 = arith.remsi %squeeze3A_399, %select_n3A_403 : i32
      %ne3A_405 = arith.constant 0 : i32
      %ne3A_406 = arith.cmpi ne, %rem3A_404, %ne3A_405 : i32
      %lt3A_407 = arith.constant 0 : i32
      %lt3A_408 = arith.cmpi slt, %rem3A_404, %lt3A_407 : i32
      %lt3A_409 = arith.constant 0 : i32
      %lt3A_410 = arith.cmpi slt, %select_n3A_403, %lt3A_409 : i32
      %ne3A_411 = arith.xori %lt3A_408, %lt3A_410 : i1
      %and3A_412 = arith.andi %ne3A_411, %ne3A_406 : i1
      %add3A_413 = arith.addi %rem3A_404, %select_n3A_403 : i32
      %select_n3A_414 = arith.select %and3A_412, %add3A_413, %rem3A_404 : i32
      %broadcast_in_dim3A = vector.broadcast %select_n3A_414 : i32 to vector<16xi32>
      %add3A_415 = arith.constant 0 : i32
      %add3A_416 = vector.broadcast %add3A_415 : i32 to vector<16xi32>
      %add3A_417 = arith.addi %iota3A, %add3A_416 : vector<16xi32>
      %gather3A = arith.constant 0 : i32
      %gather3A_418 = arith.constant 0 : i32
      %gather3A_419 = arith.constant 0 : i32
      %gather3A_420 = tpu.memref_slice %arg7[%gather3A, %gather3A_418, %gather3A_419] : memref<8x64x128xf32, #tpu.memory_space<vmem>> -> memref<1x64x128xf32, #tpu.memory_space<vmem>>
      %gather3A_421 = tpu.memref_squeeze %gather3A_420 : memref<1x64x128xf32, #tpu.memory_space<vmem>> -> memref<64x128xf32, #tpu.memory_space<vmem>>
      %gather3A_422 = tpu.vector_load_idx %gather3A_421[%add3A_417, %broadcast_in_dim3A] : memref<64x128xf32, #tpu.memory_space<vmem>>[vector<16xi32>, vector<16xi32>], vector<16xf32>,
      %swap3A = arith.constant 0 : index
      %swap3A_423 = tpu.vector_load %arg8[%swap3A] {strides = array<i32>} : memref<536xf32, #tpu.memory_space<vmem>>, vector<16xf32>,
      tpu.vector_store %arg8[%swap3A], %gather3A_422 {strides = array<i32>} : memref<536xf32, #tpu.memory_space<vmem>>, vector<16xf32>,
      %add3A_424 = arith.constant 16 : i32
      %add3A_425 = vector.broadcast %add3A_424 : i32 to vector<16xi32>
      %add3A_426 = arith.addi %iota3A, %add3A_425 : vector<16xi32>
      %gather3A_427 = arith.constant 0 : i32
      %gather3A_428 = arith.constant 0 : i32
      %gather3A_429 = arith.constant 0 : i32
      %gather3A_430 = tpu.memref_slice %arg7[%gather3A_427, %gather3A_428, %gather3A_429] : memref<8x64x128xf32, #tpu.memory_space<vmem>> -> memref<1x64x128xf32, #tpu.memory_space<vmem>>
      %gather3A_431 = tpu.memref_squeeze %gather3A_430 : memref<1x64x128xf32, #tpu.memory_space<vmem>> -> memref<64x128xf32, #tpu.memory_space<vmem>>
      %gather3A_432 = tpu.vector_load_idx %gather3A_431[%add3A_426, %broadcast_in_dim3A] : memref<64x128xf32, #tpu.memory_space<vmem>>[vector<16xi32>, vector<16xi32>], vector<16xf32>,
      %swap3A_433 = arith.constant 16 : index
      %swap3A_434 = tpu.vector_load %arg8[%swap3A_433] {strides = array<i32>} : memref<536xf32, #tpu.memory_space<vmem>>, vector<16xf32>,
      tpu.vector_store %arg8[%swap3A_433], %gather3A_432 {strides = array<i32>} : memref<536xf32, #tpu.memory_space<vmem>>, vector<16xf32>,
      %add3A_435 = arith.constant 32 : i32
      %add3A_436 = vector.broadcast %add3A_435 : i32 to vector<16xi32>
      %add3A_437 = arith.addi %iota3A, %add3A_436 : vector<16xi32>
      %gather3A_438 = arith.constant 0 : i32
      %gather3A_439 = arith.constant 0 : i32
      %gather3A_440 = arith.constant 0 : i32
      %gather3A_441 = tpu.memref_slice %arg7[%gather3A_438, %gather3A_439, %gather3A_440] : memref<8x64x128xf32, #tpu.memory_space<vmem>> -> memref<1x64x128xf32, #tpu.memory_space<vmem>>
      %gather3A_442 = tpu.memref_squeeze %gather3A_441 : memref<1x64x128xf32, #tpu.memory_space<vmem>> -> memref<64x128xf32, #tpu.memory_space<vmem>>
      %gather3A_443 = tpu.vector_load_idx %gather3A_442[%add3A_437, %broadcast_in_dim3A] : memref<64x128xf32, #tpu.memory_space<vmem>>[vector<16xi32>, vector<16xi32>], vector<16xf32>,
      %swap3A_444 = arith.constant 32 : index
      %swap3A_445 = tpu.vector_load %arg8[%swap3A_444] {strides = array<i32>} : memref<536xf32, #tpu.memory_space<vmem>>, vector<16xf32>,
      tpu.vector_store %arg8[%swap3A_444], %gather3A_443 {strides = array<i32>} : memref<536xf32, #tpu.memory_space<vmem>>, vector<16xf32>,
      %add3A_446 = arith.constant 48 : i32
      %add3A_447 = vector.broadcast %add3A_446 : i32 to vector<16xi32>
      %add3A_448 = arith.addi %iota3A, %add3A_447 : vector<16xi32>
      %gather3A_449 = arith.constant 0 : i32
      %gather3A_450 = arith.constant 0 : i32
      %gather3A_451 = arith.constant 0 : i32
      %gather3A_452 = tpu.memref_slice %arg7[%gather3A_449, %gather3A_450, %gather3A_451] : memref<8x64x128xf32, #tpu.memory_space<vmem>> -> memref<1x64x128xf32, #tpu.memory_space<vmem>>
      %gather3A_453 = tpu.memref_squeeze %gather3A_452 : memref<1x64x128xf32, #tpu.memory_space<vmem>> -> memref<64x128xf32, #tpu.memory_space<vmem>>
      %gather3A_454 = tpu.vector_load_idx %gather3A_453[%add3A_448, %broadcast_in_dim3A] : memref<64x128xf32, #tpu.memory_space<vmem>>[vector<16xi32>, vector<16xi32>], vector<16xf32>,
      %swap3A_455 = arith.constant 48 : index
      %swap3A_456 = tpu.vector_load %arg8[%swap3A_455] {strides = array<i32>} : memref<536xf32, #tpu.memory_space<vmem>>, vector<16xf32>,
      tpu.vector_store %arg8[%swap3A_455], %gather3A_454 {strides = array<i32>} : memref<536xf32, #tpu.memory_space<vmem>>, vector<16xf32>,
      %get3A_457 = arith.constant 64 : index
      %get3A_458 = tpu.vector_load %arg8[%get3A_457] {strides = array<i32>} : memref<536xf32, #tpu.memory_space<vmem>>, vector<16xf32>,
      %eq3A_459 = arith.constant 0 : i32
      %eq3A_460 = vector.broadcast %eq3A_459 : i32 to vector<16xi32>
      %eq3A_461 = arith.cmpi eq, %iota3A, %eq3A_460 : vector<16xi32>
      %slice3A_462 = vector.extract_strided_slice %convert_element_type3A_381 {offsets = [0], sizes = [1], strides = [1]} : vector<16xf32> to vector<1xf32>
      %squeeze3A_463 = vector.extract %slice3A_462[0] : f32 from vector<1xf32>
      %broadcast_in_dim3A_464 = vector.broadcast %squeeze3A_463 : f32 to vector<16xf32>
      %select_n3A_465 = arith.select %eq3A_461, %broadcast_in_dim3A_464, %get3A_458 : vector<16xi1>, vector<16xf32>
      %swap3A_466 = arith.constant 64 : index
      %swap3A_467 = tpu.vector_load %arg8[%swap3A_466] {strides = array<i32>} : memref<536xf32, #tpu.memory_space<vmem>>, vector<16xf32>,
      tpu.vector_store %arg8[%swap3A_466], %select_n3A_465 {strides = array<i32>} : memref<536xf32, #tpu.memory_space<vmem>>, vector<16xf32>,
      %dma_wait3A_468 = arith.constant 1 : i32
      %dma_wait3A_469 = arith.constant 1 : i32
      %dma_wait3A_470 = arith.constant 0 : i32
      %dma_wait3A_471 = arith.constant 0 : i32
      %dma_wait3A_472 = tpu.memref_slice %arg7[%dma_wait3A_468, %dma_wait3A_470, %dma_wait3A_471] : memref<8x64x128xf32, #tpu.memory_space<vmem>> -> memref<1x64x128xf32, #tpu.memory_space<vmem>>
      %dma_wait3A_473 = tpu.memref_squeeze %dma_wait3A_472 : memref<1x64x128xf32, #tpu.memory_space<vmem>> -> memref<64x128xf32, #tpu.memory_space<vmem>>
      %dma_wait3A_474 = arith.constant 0 : i32
      %dma_wait3A_475 = tpu.memref_slice %arg3[%dma_wait3A_474, %multiple_of3A_86] : memref<64x1000001xf32, #tpu.memory_space<hbm>> -> memref<64x128xf32, #tpu.memory_space<hbm>>
      %dma_wait3A_476 = tpu.memref_slice %arg10[%dma_wait3A_469] : memref<8x!tpu.dma_semaphore, #tpu.memory_space<semaphore_mem>> -> memref<1x!tpu.dma_semaphore, #tpu.memory_space<semaphore_mem>>
      %dma_wait3A_477 = tpu.memref_squeeze %dma_wait3A_476 : memref<1x!tpu.dma_semaphore, #tpu.memory_space<semaphore_mem>> -> memref<!tpu.dma_semaphore, #tpu.memory_space<semaphore_mem>>
      %dma_wait3A_478 = arith.constant 0 : i32
      %dma_wait3A_479 = arith.constant 0 : i32
      %dma_wait3A_480 = tpu.memref_slice %arg7[%dma_wait3A_468, %dma_wait3A_478, %dma_wait3A_479] : memref<8x64x128xf32, #tpu.memory_space<vmem>> -> memref<1x64x128xf32, #tpu.memory_space<vmem>>
      %dma_wait3A_481 = tpu.memref_squeeze %dma_wait3A_480 : memref<1x64x128xf32, #tpu.memory_space<vmem>> -> memref<64x128xf32, #tpu.memory_space<vmem>>
      %dma_wait3A_482 = arith.constant 0 : i32
      %dma_wait3A_483 = tpu.memref_slice %arg3[%dma_wait3A_482, %multiple_of3A_86] : memref<64x1000001xf32, #tpu.memory_space<hbm>> -> memref<64x128xf32, #tpu.memory_space<hbm>>
      tpu.wait_dma2 semaphore(%dma_wait3A_477 : memref<!tpu.dma_semaphore, #tpu.memory_space<semaphore_mem>>) src(%dma_wait3A_483 : memref<64x128xf32, #tpu.memory_space<hbm>>) dst(%dma_wait3A_481 : memref<64x128xf32, #tpu.memory_space<vmem>>)
      %slice3A_484 = vector.extract_strided_slice %get3A_23 {offsets = [1], sizes = [1], strides = [1]} : vector<16xi32> to vector<1xi32>
      %squeeze3A_485 = vector.extract %slice3A_484[0] : i32 from vector<1xi32>
      %jit3A_486 = arith.constant 128 : i32
      %eq3A_487 = arith.constant 0 : i32
      %eq3A_488 = arith.cmpi eq, %jit3A_486, %eq3A_487 : i32
      %jit3A_489 = arith.constant 1 : i32
      %select_n3A_490 = arith.select %eq3A_488, %jit3A_489, %jit3A_486 : i32
      %rem3A_491 = arith.remsi %squeeze3A_485, %select_n3A_490 : i32
      %ne3A_492 = arith.constant 0 : i32
      %ne3A_493 = arith.cmpi ne, %rem3A_491, %ne3A_492 : i32
      %lt3A_494 = arith.constant 0 : i32
      %lt3A_495 = arith.cmpi slt, %rem3A_491, %lt3A_494 : i32
      %lt3A_496 = arith.constant 0 : i32
      %lt3A_497 = arith.cmpi slt, %select_n3A_490, %lt3A_496 : i32
      %ne3A_498 = arith.xori %lt3A_495, %lt3A_497 : i1
      %and3A_499 = arith.andi %ne3A_498, %ne3A_493 : i1
      %add3A_500 = arith.addi %rem3A_491, %select_n3A_490 : i32
      %select_n3A_501 = arith.select %and3A_499, %add3A_500, %rem3A_491 : i32
      %broadcast_in_dim3A_502 = vector.broadcast %select_n3A_501 : i32 to vector<16xi32>
      %add3A_503 = arith.constant 0 : i32
      %add3A_504 = vector.broadcast %add3A_503 : i32 to vector<16xi32>
      %add3A_505 = arith.addi %iota3A, %add3A_504 : vector<16xi32>
      %gather3A_506 = arith.constant 1 : i32
      %gather3A_507 = arith.constant 0 : i32
      %gather3A_508 = arith.constant 0 : i32
      %gather3A_509 = tpu.memref_slice %arg7[%gather3A_506, %gather3A_507, %gather3A_508] : memref<8x64x128xf32, #tpu.memory_space<vmem>> -> memref<1x64x128xf32, #tpu.memory_space<vmem>>
      %gather3A_510 = tpu.memref_squeeze %gather3A_509 : memref<1x64x128xf32, #tpu.memory_space<vmem>> -> memref<64x128xf32, #tpu.memory_space<vmem>>
      %gather3A_511 = tpu.vector_load_idx %gather3A_510[%add3A_505, %broadcast_in_dim3A_502] : memref<64x128xf32, #tpu.memory_space<vmem>>[vector<16xi32>, vector<16xi32>], vector<16xf32>,
      %swap3A_512 = arith.constant 65 : index
      %swap3A_513 = tpu.vector_load %arg8[%swap3A_512] {strides = array<i32>} : memref<536xf32, #tpu.memory_space<vmem>>, vector<16xf32>,
      tpu.vector_store %arg8[%swap3A_512], %gather3A_511 {strides = array<i32>} : memref<536xf32, #tpu.memory_space<vmem>>, vector<16xf32>,
      %add3A_514 = arith.constant 16 : i32
      %add3A_515 = vector.broadcast %add3A_514 : i32 to vector<16xi32>
      %add3A_516 = arith.addi %iota3A, %add3A_515 : vector<16xi32>
      %gather3A_517 = arith.constant 1 : i32
      %gather3A_518 = arith.constant 0 : i32
      %gather3A_519 = arith.constant 0 : i32
      %gather3A_520 = tpu.memref_slice %arg7[%gather3A_517, %gather3A_518, %gather3A_519] : memref<8x64x128xf32, #tpu.memory_space<vmem>> -> memref<1x64x128xf32, #tpu.memory_space<vmem>>
      %gather3A_521 = tpu.memref_squeeze %gather3A_520 : memref<1x64x128xf32, #tpu.memory_space<vmem>> -> memref<64x128xf32, #tpu.memory_space<vmem>>
      %gather3A_522 = tpu.vector_load_idx %gather3A_521[%add3A_516, %broadcast_in_dim3A_502] : memref<64x128xf32, #tpu.memory_space<vmem>>[vector<16xi32>, vector<16xi32>], vector<16xf32>,
      %swap3A_523 = arith.constant 81 : index
      %swap3A_524 = tpu.vector_load %arg8[%swap3A_523] {strides = array<i32>} : memref<536xf32, #tpu.memory_space<vmem>>, vector<16xf32>,
      tpu.vector_store %arg8[%swap3A_523], %gather3A_522 {strides = array<i32>} : memref<536xf32, #tpu.memory_space<vmem>>, vector<16xf32>,
      %add3A_525 = arith.constant 32 : i32
      %add3A_526 = vector.broadcast %add3A_525 : i32 to vector<16xi32>
      %add3A_527 = arith.addi %iota3A, %add3A_526 : vector<16xi32>
      %gather3A_528 = arith.constant 1 : i32
      %gather3A_529 = arith.constant 0 : i32
      %gather3A_530 = arith.constant 0 : i32
      %gather3A_531 = tpu.memref_slice %arg7[%gather3A_528, %gather3A_529, %gather3A_530] : memref<8x64x128xf32, #tpu.memory_space<vmem>> -> memref<1x64x128xf32, #tpu.memory_space<vmem>>
      %gather3A_532 = tpu.memref_squeeze %gather3A_531 : memref<1x64x128xf32, #tpu.memory_space<vmem>> -> memref<64x128xf32, #tpu.memory_space<vmem>>
      %gather3A_533 = tpu.vector_load_idx %gather3A_532[%add3A_527, %broadcast_in_dim3A_502] : memref<64x128xf32, #tpu.memory_space<vmem>>[vector<16xi32>, vector<16xi32>], vector<16xf32>,
      %swap3A_534 = arith.constant 97 : index
      %swap3A_535 = tpu.vector_load %arg8[%swap3A_534] {strides = array<i32>} : memref<536xf32, #tpu.memory_space<vmem>>, vector<16xf32>,
      tpu.vector_store %arg8[%swap3A_534], %gather3A_533 {strides = array<i32>} : memref<536xf32, #tpu.memory_space<vmem>>, vector<16xf32>,
      %add3A_536 = arith.constant 48 : i32
      %add3A_537 = vector.broadcast %add3A_536 : i32 to vector<16xi32>
      %add3A_538 = arith.addi %iota3A, %add3A_537 : vector<16xi32>
      %gather3A_539 = arith.constant 1 : i32
      %gather3A_540 = arith.constant 0 : i32
      %gather3A_541 = arith.constant 0 : i32
      %gather3A_542 = tpu.memref_slice %arg7[%gather3A_539, %gather3A_540, %gather3A_541] : memref<8x64x128xf32, #tpu.memory_space<vmem>> -> memref<1x64x128xf32, #tpu.memory_space<vmem>>
      %gather3A_543 = tpu.memref_squeeze %gather3A_542 : memref<1x64x128xf32, #tpu.memory_space<vmem>> -> memref<64x128xf32, #tpu.memory_space<vmem>>
      %gather3A_544 = tpu.vector_load_idx %gather3A_543[%add3A_538, %broadcast_in_dim3A_502] : memref<64x128xf32, #tpu.memory_space<vmem>>[vector<16xi32>, vector<16xi32>], vector<16xf32>,
      %swap3A_545 = arith.constant 113 : index
      %swap3A_546 = tpu.vector_load %arg8[%swap3A_545] {strides = array<i32>} : memref<536xf32, #tpu.memory_space<vmem>>, vector<16xf32>,
      tpu.vector_store %arg8[%swap3A_545], %gather3A_544 {strides = array<i32>} : memref<536xf32, #tpu.memory_space<vmem>>, vector<16xf32>,
      %get3A_547 = arith.constant 129 : index
      %get3A_548 = tpu.vector_load %arg8[%get3A_547] {strides = array<i32>} : memref<536xf32, #tpu.memory_space<vmem>>, vector<16xf32>,
      %eq3A_549 = arith.constant 0 : i32
      %eq3A_550 = vector.broadcast %eq3A_549 : i32 to vector<16xi32>
      %eq3A_551 = arith.cmpi eq, %iota3A, %eq3A_550 : vector<16xi32>
      %slice3A_552 = vector.extract_strided_slice %convert_element_type3A_381 {offsets = [1], sizes = [1], strides = [1]} : vector<16xf32> to vector<1xf32>
      %squeeze3A_553 = vector.extract %slice3A_552[0] : f32 from vector<1xf32>
      %broadcast_in_dim3A_554 = vector.broadcast %squeeze3A_553 : f32 to vector<16xf32>
      %select_n3A_555 = arith.select %eq3A_551, %broadcast_in_dim3A_554, %get3A_548 : vector<16xi1>, vector<16xf32>
      %swap3A_556 = arith.constant 129 : index
      %swap3A_557 = tpu.vector_load %arg8[%swap3A_556] {strides = array<i32>} : memref<536xf32, #tpu.memory_space<vmem>>, vector<16xf32>,
      tpu.vector_store %arg8[%swap3A_556], %select_n3A_555 {strides = array<i32>} : memref<536xf32, #tpu.memory_space<vmem>>, vector<16xf32>,
      %dma_wait3A_558 = arith.constant 2 : i32
      %dma_wait3A_559 = arith.constant 2 : i32
      %dma_wait3A_560 = arith.constant 0 : i32
      %dma_wait3A_561 = arith.constant 0 : i32
      %dma_wait3A_562 = tpu.memref_slice %arg7[%dma_wait3A_558, %dma_wait3A_560, %dma_wait3A_561] : memref<8x64x128xf32, #tpu.memory_space<vmem>> -> memref<1x64x128xf32, #tpu.memory_space<vmem>>
      %dma_wait3A_563 = tpu.memref_squeeze %dma_wait3A_562 : memref<1x64x128xf32, #tpu.memory_space<vmem>> -> memref<64x128xf32, #tpu.memory_space<vmem>>
      %dma_wait3A_564 = arith.constant 0 : i32
      %dma_wait3A_565 = tpu.memref_slice %arg3[%dma_wait3A_564, %multiple_of3A_131] : memref<64x1000001xf32, #tpu.memory_space<hbm>> -> memref<64x128xf32, #tpu.memory_space<hbm>>
      %dma_wait3A_566 = tpu.memref_slice %arg10[%dma_wait3A_559] : memref<8x!tpu.dma_semaphore, #tpu.memory_space<semaphore_mem>> -> memref<1x!tpu.dma_semaphore, #tpu.memory_space<semaphore_mem>>
      %dma_wait3A_567 = tpu.memref_squeeze %dma_wait3A_566 : memref<1x!tpu.dma_semaphore, #tpu.memory_space<semaphore_mem>> -> memref<!tpu.dma_semaphore, #tpu.memory_space<semaphore_mem>>
      %dma_wait3A_568 = arith.constant 0 : i32
      %dma_wait3A_569 = arith.constant 0 : i32
      %dma_wait3A_570 = tpu.memref_slice %arg7[%dma_wait3A_558, %dma_wait3A_568, %dma_wait3A_569] : memref<8x64x128xf32, #tpu.memory_space<vmem>> -> memref<1x64x128xf32, #tpu.memory_space<vmem>>
      %dma_wait3A_571 = tpu.memref_squeeze %dma_wait3A_570 : memref<1x64x128xf32, #tpu.memory_space<vmem>> -> memref<64x128xf32, #tpu.memory_space<vmem>>
      %dma_wait3A_572 = arith.constant 0 : i32
      %dma_wait3A_573 = tpu.memref_slice %arg3[%dma_wait3A_572, %multiple_of3A_131] : memref<64x1000001xf32, #tpu.memory_space<hbm>> -> memref<64x128xf32, #tpu.memory_space<hbm>>
      tpu.wait_dma2 semaphore(%dma_wait3A_567 : memref<!tpu.dma_semaphore, #tpu.memory_space<semaphore_mem>>) src(%dma_wait3A_573 : memref<64x128xf32, #tpu.memory_space<hbm>>) dst(%dma_wait3A_571 : memref<64x128xf32, #tpu.memory_space<vmem>>)
      %slice3A_574 = vector.extract_strided_slice %get3A_23 {offsets = [2], sizes = [1], strides = [1]} : vector<16xi32> to vector<1xi32>
      %squeeze3A_575 = vector.extract %slice3A_574[0] : i32 from vector<1xi32>
      %jit3A_576 = arith.constant 128 : i32
      %eq3A_577 = arith.constant 0 : i32
      %eq3A_578 = arith.cmpi eq, %jit3A_576, %eq3A_577 : i32
      %jit3A_579 = arith.constant 1 : i32
      %select_n3A_580 = arith.select %eq3A_578, %jit3A_579, %jit3A_576 : i32
      %rem3A_581 = arith.remsi %squeeze3A_575, %select_n3A_580 : i32
      %ne3A_582 = arith.constant 0 : i32
      %ne3A_583 = arith.cmpi ne, %rem3A_581, %ne3A_582 : i32
      %lt3A_584 = arith.constant 0 : i32
      %lt3A_585 = arith.cmpi slt, %rem3A_581, %lt3A_584 : i32
      %lt3A_586 = arith.constant 0 : i32
      %lt3A_587 = arith.cmpi slt, %select_n3A_580, %lt3A_586 : i32
      %ne3A_588 = arith.xori %lt3A_585, %lt3A_587 : i1
      %and3A_589 = arith.andi %ne3A_588, %ne3A_583 : i1
      %add3A_590 = arith.addi %rem3A_581, %select_n3A_580 : i32
      %select_n3A_591 = arith.select %and3A_589, %add3A_590, %rem3A_581 : i32
      %broadcast_in_dim3A_592 = vector.broadcast %select_n3A_591 : i32 to vector<16xi32>
      %add3A_593 = arith.constant 0 : i32
      %add3A_594 = vector.broadcast %add3A_593 : i32 to vector<16xi32>
      %add3A_595 = arith.addi %iota3A, %add3A_594 : vector<16xi32>
      %gather3A_596 = arith.constant 2 : i32
      %gather3A_597 = arith.constant 0 : i32
      %gather3A_598 = arith.constant 0 : i32
      %gather3A_599 = tpu.memref_slice %arg7[%gather3A_596, %gather3A_597, %gather3A_598] : memref<8x64x128xf32, #tpu.memory_space<vmem>> -> memref<1x64x128xf32, #tpu.memory_space<vmem>>
      %gather3A_600 = tpu.memref_squeeze %gather3A_599 : memref<1x64x128xf32, #tpu.memory_space<vmem>> -> memref<64x128xf32, #tpu.memory_space<vmem>>
      %gather3A_601 = tpu.vector_load_idx %gather3A_600[%add3A_595, %broadcast_in_dim3A_592] : memref<64x128xf32, #tpu.memory_space<vmem>>[vector<16xi32>, vector<16xi32>], vector<16xf32>,
      %swap3A_602 = arith.constant 130 : index
      %swap3A_603 = tpu.vector_load %arg8[%swap3A_602] {strides = array<i32>} : memref<536xf32, #tpu.memory_space<vmem>>, vector<16xf32>,
      tpu.vector_store %arg8[%swap3A_602], %gather3A_601 {strides = array<i32>} : memref<536xf32, #tpu.memory_space<vmem>>, vector<16xf32>,
      %add3A_604 = arith.constant 16 : i32
      %add3A_605 = vector.broadcast %add3A_604 : i32 to vector<16xi32>
      %add3A_606 = arith.addi %iota3A, %add3A_605 : vector<16xi32>
      %gather3A_607 = arith.constant 2 : i32
      %gather3A_608 = arith.constant 0 : i32
      %gather3A_609 = arith.constant 0 : i32
      %gather3A_610 = tpu.memref_slice %arg7[%gather3A_607, %gather3A_608, %gather3A_609] : memref<8x64x128xf32, #tpu.memory_space<vmem>> -> memref<1x64x128xf32, #tpu.memory_space<vmem>>
      %gather3A_611 = tpu.memref_squeeze %gather3A_610 : memref<1x64x128xf32, #tpu.memory_space<vmem>> -> memref<64x128xf32, #tpu.memory_space<vmem>>
      %gather3A_612 = tpu.vector_load_idx %gather3A_611[%add3A_606, %broadcast_in_dim3A_592] : memref<64x128xf32, #tpu.memory_space<vmem>>[vector<16xi32>, vector<16xi32>], vector<16xf32>,
      %swap3A_613 = arith.constant 146 : index
      %swap3A_614 = tpu.vector_load %arg8[%swap3A_613] {strides = array<i32>} : memref<536xf32, #tpu.memory_space<vmem>>, vector<16xf32>,
      tpu.vector_store %arg8[%swap3A_613], %gather3A_612 {strides = array<i32>} : memref<536xf32, #tpu.memory_space<vmem>>, vector<16xf32>,
      %add3A_615 = arith.constant 32 : i32
      %add3A_616 = vector.broadcast %add3A_615 : i32 to vector<16xi32>
      %add3A_617 = arith.addi %iota3A, %add3A_616 : vector<16xi32>
      %gather3A_618 = arith.constant 2 : i32
      %gather3A_619 = arith.constant 0 : i32
      %gather3A_620 = arith.constant 0 : i32
      %gather3A_621 = tpu.memref_slice %arg7[%gather3A_618, %gather3A_619, %gather3A_620] : memref<8x64x128xf32, #tpu.memory_space<vmem>> -> memref<1x64x128xf32, #tpu.memory_space<vmem>>
      %gather3A_622 = tpu.memref_squeeze %gather3A_621 : memref<1x64x128xf32, #tpu.memory_space<vmem>> -> memref<64x128xf32, #tpu.memory_space<vmem>>
      %gather3A_623 = tpu.vector_load_idx %gather3A_622[%add3A_617, %broadcast_in_dim3A_592] : memref<64x128xf32, #tpu.memory_space<vmem>>[vector<16xi32>, vector<16xi32>], vector<16xf32>,
      %swap3A_624 = arith.constant 162 : index
      %swap3A_625 = tpu.vector_load %arg8[%swap3A_624] {strides = array<i32>} : memref<536xf32, #tpu.memory_space<vmem>>, vector<16xf32>,
      tpu.vector_store %arg8[%swap3A_624], %gather3A_623 {strides = array<i32>} : memref<536xf32, #tpu.memory_space<vmem>>, vector<16xf32>,
      %add3A_626 = arith.constant 48 : i32
      %add3A_627 = vector.broadcast %add3A_626 : i32 to vector<16xi32>
      %add3A_628 = arith.addi %iota3A, %add3A_627 : vector<16xi32>
      %gather3A_629 = arith.constant 2 : i32
      %gather3A_630 = arith.constant 0 : i32
      %gather3A_631 = arith.constant 0 : i32
      %gather3A_632 = tpu.memref_slice %arg7[%gather3A_629, %gather3A_630, %gather3A_631] : memref<8x64x128xf32, #tpu.memory_space<vmem>> -> memref<1x64x128xf32, #tpu.memory_space<vmem>>
      %gather3A_633 = tpu.memref_squeeze %gather3A_632 : memref<1x64x128xf32, #tpu.memory_space<vmem>> -> memref<64x128xf32, #tpu.memory_space<vmem>>
      %gather3A_634 = tpu.vector_load_idx %gather3A_633[%add3A_628, %broadcast_in_dim3A_592] : memref<64x128xf32, #tpu.memory_space<vmem>>[vector<16xi32>, vector<16xi32>], vector<16xf32>,
      %swap3A_635 = arith.constant 178 : index
      %swap3A_636 = tpu.vector_load %arg8[%swap3A_635] {strides = array<i32>} : memref<536xf32, #tpu.memory_space<vmem>>, vector<16xf32>,
      tpu.vector_store %arg8[%swap3A_635], %gather3A_634 {strides = array<i32>} : memref<536xf32, #tpu.memory_space<vmem>>, vector<16xf32>,
      %get3A_637 = arith.constant 194 : index
      %get3A_638 = tpu.vector_load %arg8[%get3A_637] {strides = array<i32>} : memref<536xf32, #tpu.memory_space<vmem>>, vector<16xf32>,
      %eq3A_639 = arith.constant 0 : i32
      %eq3A_640 = vector.broadcast %eq3A_639 : i32 to vector<16xi32>
      %eq3A_641 = arith.cmpi eq, %iota3A, %eq3A_640 : vector<16xi32>
      %slice3A_642 = vector.extract_strided_slice %convert_element_type3A_381 {offsets = [2], sizes = [1], strides = [1]} : vector<16xf32> to vector<1xf32>
      %squeeze3A_643 = vector.extract %slice3A_642[0] : f32 from vector<1xf32>
      %broadcast_in_dim3A_644 = vector.broadcast %squeeze3A_643 : f32 to vector<16xf32>
      %select_n3A_645 = arith.select %eq3A_641, %broadcast_in_dim3A_644, %get3A_638 : vector<16xi1>, vector<16xf32>
      %swap3A_646 = arith.constant 194 : index
      %swap3A_647 = tpu.vector_load %arg8[%swap3A_646] {strides = array<i32>} : memref<536xf32, #tpu.memory_space<vmem>>, vector<16xf32>,
      tpu.vector_store %arg8[%swap3A_646], %select_n3A_645 {strides = array<i32>} : memref<536xf32, #tpu.memory_space<vmem>>, vector<16xf32>,
      %dma_wait3A_648 = arith.constant 3 : i32
      %dma_wait3A_649 = arith.constant 3 : i32
      %dma_wait3A_650 = arith.constant 0 : i32
      %dma_wait3A_651 = arith.constant 0 : i32
      %dma_wait3A_652 = tpu.memref_slice %arg7[%dma_wait3A_648, %dma_wait3A_650, %dma_wait3A_651] : memref<8x64x128xf32, #tpu.memory_space<vmem>> -> memref<1x64x128xf32, #tpu.memory_space<vmem>>
      %dma_wait3A_653 = tpu.memref_squeeze %dma_wait3A_652 : memref<1x64x128xf32, #tpu.memory_space<vmem>> -> memref<64x128xf32, #tpu.memory_space<vmem>>
      %dma_wait3A_654 = arith.constant 0 : i32
      %dma_wait3A_655 = tpu.memref_slice %arg3[%dma_wait3A_654, %multiple_of3A_176] : memref<64x1000001xf32, #tpu.memory_space<hbm>> -> memref<64x128xf32, #tpu.memory_space<hbm>>
      %dma_wait3A_656 = tpu.memref_slice %arg10[%dma_wait3A_649] : memref<8x!tpu.dma_semaphore, #tpu.memory_space<semaphore_mem>> -> memref<1x!tpu.dma_semaphore, #tpu.memory_space<semaphore_mem>>
      %dma_wait3A_657 = tpu.memref_squeeze %dma_wait3A_656 : memref<1x!tpu.dma_semaphore, #tpu.memory_space<semaphore_mem>> -> memref<!tpu.dma_semaphore, #tpu.memory_space<semaphore_mem>>
      %dma_wait3A_658 = arith.constant 0 : i32
      %dma_wait3A_659 = arith.constant 0 : i32
      %dma_wait3A_660 = tpu.memref_slice %arg7[%dma_wait3A_648, %dma_wait3A_658, %dma_wait3A_659] : memref<8x64x128xf32, #tpu.memory_space<vmem>> -> memref<1x64x128xf32, #tpu.memory_space<vmem>>
      %dma_wait3A_661 = tpu.memref_squeeze %dma_wait3A_660 : memref<1x64x128xf32, #tpu.memory_space<vmem>> -> memref<64x128xf32, #tpu.memory_space<vmem>>
      %dma_wait3A_662 = arith.constant 0 : i32
      %dma_wait3A_663 = tpu.memref_slice %arg3[%dma_wait3A_662, %multiple_of3A_176] : memref<64x1000001xf32, #tpu.memory_space<hbm>> -> memref<64x128xf32, #tpu.memory_space<hbm>>
      tpu.wait_dma2 semaphore(%dma_wait3A_657 : memref<!tpu.dma_semaphore, #tpu.memory_space<semaphore_mem>>) src(%dma_wait3A_663 : memref<64x128xf32, #tpu.memory_space<hbm>>) dst(%dma_wait3A_661 : memref<64x128xf32, #tpu.memory_space<vmem>>)
      %slice3A_664 = vector.extract_strided_slice %get3A_23 {offsets = [3], sizes = [1], strides = [1]} : vector<16xi32> to vector<1xi32>
      %squeeze3A_665 = vector.extract %slice3A_664[0] : i32 from vector<1xi32>
      %jit3A_666 = arith.constant 128 : i32
      %eq3A_667 = arith.constant 0 : i32
      %eq3A_668 = arith.cmpi eq, %jit3A_666, %eq3A_667 : i32
      %jit3A_669 = arith.constant 1 : i32
      %select_n3A_670 = arith.select %eq3A_668, %jit3A_669, %jit3A_666 : i32
      %rem3A_671 = arith.remsi %squeeze3A_665, %select_n3A_670 : i32
      %ne3A_672 = arith.constant 0 : i32
      %ne3A_673 = arith.cmpi ne, %rem3A_671, %ne3A_672 : i32
      %lt3A_674 = arith.constant 0 : i32
      %lt3A_675 = arith.cmpi slt, %rem3A_671, %lt3A_674 : i32
      %lt3A_676 = arith.constant 0 : i32
      %lt3A_677 = arith.cmpi slt, %select_n3A_670, %lt3A_676 : i32
      %ne3A_678 = arith.xori %lt3A_675, %lt3A_677 : i1
      %and3A_679 = arith.andi %ne3A_678, %ne3A_673 : i1
      %add3A_680 = arith.addi %rem3A_671, %select_n3A_670 : i32
      %select_n3A_681 = arith.select %and3A_679, %add3A_680, %rem3A_671 : i32
      %broadcast_in_dim3A_682 = vector.broadcast %select_n3A_681 : i32 to vector<16xi32>
      %add3A_683 = arith.constant 0 : i32
      %add3A_684 = vector.broadcast %add3A_683 : i32 to vector<16xi32>
      %add3A_685 = arith.addi %iota3A, %add3A_684 : vector<16xi32>
      %gather3A_686 = arith.constant 3 : i32
      %gather3A_687 = arith.constant 0 : i32
      %gather3A_688 = arith.constant 0 : i32
      %gather3A_689 = tpu.memref_slice %arg7[%gather3A_686, %gather3A_687, %gather3A_688] : memref<8x64x128xf32, #tpu.memory_space<vmem>> -> memref<1x64x128xf32, #tpu.memory_space<vmem>>
      %gather3A_690 = tpu.memref_squeeze %gather3A_689 : memref<1x64x128xf32, #tpu.memory_space<vmem>> -> memref<64x128xf32, #tpu.memory_space<vmem>>
      %gather3A_691 = tpu.vector_load_idx %gather3A_690[%add3A_685, %broadcast_in_dim3A_682] : memref<64x128xf32, #tpu.memory_space<vmem>>[vector<16xi32>, vector<16xi32>], vector<16xf32>,
      %swap3A_692 = arith.constant 195 : index
      %swap3A_693 = tpu.vector_load %arg8[%swap3A_692] {strides = array<i32>} : memref<536xf32, #tpu.memory_space<vmem>>, vector<16xf32>,
      tpu.vector_store %arg8[%swap3A_692], %gather3A_691 {strides = array<i32>} : memref<536xf32, #tpu.memory_space<vmem>>, vector<16xf32>,
      %add3A_694 = arith.constant 16 : i32
      %add3A_695 = vector.broadcast %add3A_694 : i32 to vector<16xi32>
      %add3A_696 = arith.addi %iota3A, %add3A_695 : vector<16xi32>
      %gather3A_697 = arith.constant 3 : i32
      %gather3A_698 = arith.constant 0 : i32
      %gather3A_699 = arith.constant 0 : i32
      %gather3A_700 = tpu.memref_slice %arg7[%gather3A_697, %gather3A_698, %gather3A_699] : memref<8x64x128xf32, #tpu.memory_space<vmem>> -> memref<1x64x128xf32, #tpu.memory_space<vmem>>
      %gather3A_701 = tpu.memref_squeeze %gather3A_700 : memref<1x64x128xf32, #tpu.memory_space<vmem>> -> memref<64x128xf32, #tpu.memory_space<vmem>>
      %gather3A_702 = tpu.vector_load_idx %gather3A_701[%add3A_696, %broadcast_in_dim3A_682] : memref<64x128xf32, #tpu.memory_space<vmem>>[vector<16xi32>, vector<16xi32>], vector<16xf32>,
      %swap3A_703 = arith.constant 211 : index
      %swap3A_704 = tpu.vector_load %arg8[%swap3A_703] {strides = array<i32>} : memref<536xf32, #tpu.memory_space<vmem>>, vector<16xf32>,
      tpu.vector_store %arg8[%swap3A_703], %gather3A_702 {strides = array<i32>} : memref<536xf32, #tpu.memory_space<vmem>>, vector<16xf32>,
      %add3A_705 = arith.constant 32 : i32
      %add3A_706 = vector.broadcast %add3A_705 : i32 to vector<16xi32>
      %add3A_707 = arith.addi %iota3A, %add3A_706 : vector<16xi32>
      %gather3A_708 = arith.constant 3 : i32
      %gather3A_709 = arith.constant 0 : i32
      %gather3A_710 = arith.constant 0 : i32
      %gather3A_711 = tpu.memref_slice %arg7[%gather3A_708, %gather3A_709, %gather3A_710] : memref<8x64x128xf32, #tpu.memory_space<vmem>> -> memref<1x64x128xf32, #tpu.memory_space<vmem>>
      %gather3A_712 = tpu.memref_squeeze %gather3A_711 : memref<1x64x128xf32, #tpu.memory_space<vmem>> -> memref<64x128xf32, #tpu.memory_space<vmem>>
      %gather3A_713 = tpu.vector_load_idx %gather3A_712[%add3A_707, %broadcast_in_dim3A_682] : memref<64x128xf32, #tpu.memory_space<vmem>>[vector<16xi32>, vector<16xi32>], vector<16xf32>,
      %swap3A_714 = arith.constant 227 : index
      %swap3A_715 = tpu.vector_load %arg8[%swap3A_714] {strides = array<i32>} : memref<536xf32, #tpu.memory_space<vmem>>, vector<16xf32>,
      tpu.vector_store %arg8[%swap3A_714], %gather3A_713 {strides = array<i32>} : memref<536xf32, #tpu.memory_space<vmem>>, vector<16xf32>,
      %add3A_716 = arith.constant 48 : i32
      %add3A_717 = vector.broadcast %add3A_716 : i32 to vector<16xi32>
      %add3A_718 = arith.addi %iota3A, %add3A_717 : vector<16xi32>
      %gather3A_719 = arith.constant 3 : i32
      %gather3A_720 = arith.constant 0 : i32
      %gather3A_721 = arith.constant 0 : i32
      %gather3A_722 = tpu.memref_slice %arg7[%gather3A_719, %gather3A_720, %gather3A_721] : memref<8x64x128xf32, #tpu.memory_space<vmem>> -> memref<1x64x128xf32, #tpu.memory_space<vmem>>
      %gather3A_723 = tpu.memref_squeeze %gather3A_722 : memref<1x64x128xf32, #tpu.memory_space<vmem>> -> memref<64x128xf32, #tpu.memory_space<vmem>>
      %gather3A_724 = tpu.vector_load_idx %gather3A_723[%add3A_718, %broadcast_in_dim3A_682] : memref<64x128xf32, #tpu.memory_space<vmem>>[vector<16xi32>, vector<16xi32>], vector<16xf32>,
      %swap3A_725 = arith.constant 243 : index
      %swap3A_726 = tpu.vector_load %arg8[%swap3A_725] {strides = array<i32>} : memref<536xf32, #tpu.memory_space<vmem>>, vector<16xf32>,
      tpu.vector_store %arg8[%swap3A_725], %gather3A_724 {strides = array<i32>} : memref<536xf32, #tpu.memory_space<vmem>>, vector<16xf32>,
      %get3A_727 = arith.constant 259 : index
      %get3A_728 = tpu.vector_load %arg8[%get3A_727] {strides = array<i32>} : memref<536xf32, #tpu.memory_space<vmem>>, vector<16xf32>,
      %eq3A_729 = arith.constant 0 : i32
      %eq3A_730 = vector.broadcast %eq3A_729 : i32 to vector<16xi32>
      %eq3A_731 = arith.cmpi eq, %iota3A, %eq3A_730 : vector<16xi32>
      %slice3A_732 = vector.extract_strided_slice %convert_element_type3A_381 {offsets = [3], sizes = [1], strides = [1]} : vector<16xf32> to vector<1xf32>
      %squeeze3A_733 = vector.extract %slice3A_732[0] : f32 from vector<1xf32>
      %broadcast_in_dim3A_734 = vector.broadcast %squeeze3A_733 : f32 to vector<16xf32>
      %select_n3A_735 = arith.select %eq3A_731, %broadcast_in_dim3A_734, %get3A_728 : vector<16xi1>, vector<16xf32>
      %swap3A_736 = arith.constant 259 : index
      %swap3A_737 = tpu.vector_load %arg8[%swap3A_736] {strides = array<i32>} : memref<536xf32, #tpu.memory_space<vmem>>, vector<16xf32>,
      tpu.vector_store %arg8[%swap3A_736], %select_n3A_735 {strides = array<i32>} : memref<536xf32, #tpu.memory_space<vmem>>, vector<16xf32>,
      %dma_wait3A_738 = arith.constant 4 : i32
      %dma_wait3A_739 = arith.constant 4 : i32
      %dma_wait3A_740 = arith.constant 0 : i32
      %dma_wait3A_741 = arith.constant 0 : i32
      %dma_wait3A_742 = tpu.memref_slice %arg7[%dma_wait3A_738, %dma_wait3A_740, %dma_wait3A_741] : memref<8x64x128xf32, #tpu.memory_space<vmem>> -> memref<1x64x128xf32, #tpu.memory_space<vmem>>
      %dma_wait3A_743 = tpu.memref_squeeze %dma_wait3A_742 : memref<1x64x128xf32, #tpu.memory_space<vmem>> -> memref<64x128xf32, #tpu.memory_space<vmem>>
      %dma_wait3A_744 = arith.constant 0 : i32
      %dma_wait3A_745 = tpu.memref_slice %arg3[%dma_wait3A_744, %multiple_of3A_221] : memref<64x1000001xf32, #tpu.memory_space<hbm>> -> memref<64x128xf32, #tpu.memory_space<hbm>>
      %dma_wait3A_746 = tpu.memref_slice %arg10[%dma_wait3A_739] : memref<8x!tpu.dma_semaphore, #tpu.memory_space<semaphore_mem>> -> memref<1x!tpu.dma_semaphore, #tpu.memory_space<semaphore_mem>>
      %dma_wait3A_747 = tpu.memref_squeeze %dma_wait3A_746 : memref<1x!tpu.dma_semaphore, #tpu.memory_space<semaphore_mem>> -> memref<!tpu.dma_semaphore, #tpu.memory_space<semaphore_mem>>
      %dma_wait3A_748 = arith.constant 0 : i32
      %dma_wait3A_749 = arith.constant 0 : i32
      %dma_wait3A_750 = tpu.memref_slice %arg7[%dma_wait3A_738, %dma_wait3A_748, %dma_wait3A_749] : memref<8x64x128xf32, #tpu.memory_space<vmem>> -> memref<1x64x128xf32, #tpu.memory_space<vmem>>
      %dma_wait3A_751 = tpu.memref_squeeze %dma_wait3A_750 : memref<1x64x128xf32, #tpu.memory_space<vmem>> -> memref<64x128xf32, #tpu.memory_space<vmem>>
      %dma_wait3A_752 = arith.constant 0 : i32
      %dma_wait3A_753 = tpu.memref_slice %arg3[%dma_wait3A_752, %multiple_of3A_221] : memref<64x1000001xf32, #tpu.memory_space<hbm>> -> memref<64x128xf32, #tpu.memory_space<hbm>>
      tpu.wait_dma2 semaphore(%dma_wait3A_747 : memref<!tpu.dma_semaphore, #tpu.memory_space<semaphore_mem>>) src(%dma_wait3A_753 : memref<64x128xf32, #tpu.memory_space<hbm>>) dst(%dma_wait3A_751 : memref<64x128xf32, #tpu.memory_space<vmem>>)
      %slice3A_754 = vector.extract_strided_slice %get3A_23 {offsets = [4], sizes = [1], strides = [1]} : vector<16xi32> to vector<1xi32>
      %squeeze3A_755 = vector.extract %slice3A_754[0] : i32 from vector<1xi32>
      %jit3A_756 = arith.constant 128 : i32
      %eq3A_757 = arith.constant 0 : i32
      %eq3A_758 = arith.cmpi eq, %jit3A_756, %eq3A_757 : i32
      %jit3A_759 = arith.constant 1 : i32
      %select_n3A_760 = arith.select %eq3A_758, %jit3A_759, %jit3A_756 : i32
      %rem3A_761 = arith.remsi %squeeze3A_755, %select_n3A_760 : i32
      %ne3A_762 = arith.constant 0 : i32
      %ne3A_763 = arith.cmpi ne, %rem3A_761, %ne3A_762 : i32
      %lt3A_764 = arith.constant 0 : i32
      %lt3A_765 = arith.cmpi slt, %rem3A_761, %lt3A_764 : i32
      %lt3A_766 = arith.constant 0 : i32
      %lt3A_767 = arith.cmpi slt, %select_n3A_760, %lt3A_766 : i32
      %ne3A_768 = arith.xori %lt3A_765, %lt3A_767 : i1
      %and3A_769 = arith.andi %ne3A_768, %ne3A_763 : i1
      %add3A_770 = arith.addi %rem3A_761, %select_n3A_760 : i32
      %select_n3A_771 = arith.select %and3A_769, %add3A_770, %rem3A_761 : i32
      %broadcast_in_dim3A_772 = vector.broadcast %select_n3A_771 : i32 to vector<16xi32>
      %add3A_773 = arith.constant 0 : i32
      %add3A_774 = vector.broadcast %add3A_773 : i32 to vector<16xi32>
      %add3A_775 = arith.addi %iota3A, %add3A_774 : vector<16xi32>
      %gather3A_776 = arith.constant 4 : i32
      %gather3A_777 = arith.constant 0 : i32
      %gather3A_778 = arith.constant 0 : i32
      %gather3A_779 = tpu.memref_slice %arg7[%gather3A_776, %gather3A_777, %gather3A_778] : memref<8x64x128xf32, #tpu.memory_space<vmem>> -> memref<1x64x128xf32, #tpu.memory_space<vmem>>
      %gather3A_780 = tpu.memref_squeeze %gather3A_779 : memref<1x64x128xf32, #tpu.memory_space<vmem>> -> memref<64x128xf32, #tpu.memory_space<vmem>>
      %gather3A_781 = tpu.vector_load_idx %gather3A_780[%add3A_775, %broadcast_in_dim3A_772] : memref<64x128xf32, #tpu.memory_space<vmem>>[vector<16xi32>, vector<16xi32>], vector<16xf32>,
      %swap3A_782 = arith.constant 260 : index
      %swap3A_783 = tpu.vector_load %arg8[%swap3A_782] {strides = array<i32>} : memref<536xf32, #tpu.memory_space<vmem>>, vector<16xf32>,
      tpu.vector_store %arg8[%swap3A_782], %gather3A_781 {strides = array<i32>} : memref<536xf32, #tpu.memory_space<vmem>>, vector<16xf32>,
      %add3A_784 = arith.constant 16 : i32
      %add3A_785 = vector.broadcast %add3A_784 : i32 to vector<16xi32>
      %add3A_786 = arith.addi %iota3A, %add3A_785 : vector<16xi32>
      %gather3A_787 = arith.constant 4 : i32
      %gather3A_788 = arith.constant 0 : i32
      %gather3A_789 = arith.constant 0 : i32
      %gather3A_790 = tpu.memref_slice %arg7[%gather3A_787, %gather3A_788, %gather3A_789] : memref<8x64x128xf32, #tpu.memory_space<vmem>> -> memref<1x64x128xf32, #tpu.memory_space<vmem>>
      %gather3A_791 = tpu.memref_squeeze %gather3A_790 : memref<1x64x128xf32, #tpu.memory_space<vmem>> -> memref<64x128xf32, #tpu.memory_space<vmem>>
      %gather3A_792 = tpu.vector_load_idx %gather3A_791[%add3A_786, %broadcast_in_dim3A_772] : memref<64x128xf32, #tpu.memory_space<vmem>>[vector<16xi32>, vector<16xi32>], vector<16xf32>,
      %swap3A_793 = arith.constant 276 : index
      %swap3A_794 = tpu.vector_load %arg8[%swap3A_793] {strides = array<i32>} : memref<536xf32, #tpu.memory_space<vmem>>, vector<16xf32>,
      tpu.vector_store %arg8[%swap3A_793], %gather3A_792 {strides = array<i32>} : memref<536xf32, #tpu.memory_space<vmem>>, vector<16xf32>,
      %add3A_795 = arith.constant 32 : i32
      %add3A_796 = vector.broadcast %add3A_795 : i32 to vector<16xi32>
      %add3A_797 = arith.addi %iota3A, %add3A_796 : vector<16xi32>
      %gather3A_798 = arith.constant 4 : i32
      %gather3A_799 = arith.constant 0 : i32
      %gather3A_800 = arith.constant 0 : i32
      %gather3A_801 = tpu.memref_slice %arg7[%gather3A_798, %gather3A_799, %gather3A_800] : memref<8x64x128xf32, #tpu.memory_space<vmem>> -> memref<1x64x128xf32, #tpu.memory_space<vmem>>
      %gather3A_802 = tpu.memref_squeeze %gather3A_801 : memref<1x64x128xf32, #tpu.memory_space<vmem>> -> memref<64x128xf32, #tpu.memory_space<vmem>>
      %gather3A_803 = tpu.vector_load_idx %gather3A_802[%add3A_797, %broadcast_in_dim3A_772] : memref<64x128xf32, #tpu.memory_space<vmem>>[vector<16xi32>, vector<16xi32>], vector<16xf32>,
      %swap3A_804 = arith.constant 292 : index
      %swap3A_805 = tpu.vector_load %arg8[%swap3A_804] {strides = array<i32>} : memref<536xf32, #tpu.memory_space<vmem>>, vector<16xf32>,
      tpu.vector_store %arg8[%swap3A_804], %gather3A_803 {strides = array<i32>} : memref<536xf32, #tpu.memory_space<vmem>>, vector<16xf32>,
      %add3A_806 = arith.constant 48 : i32
      %add3A_807 = vector.broadcast %add3A_806 : i32 to vector<16xi32>
      %add3A_808 = arith.addi %iota3A, %add3A_807 : vector<16xi32>
      %gather3A_809 = arith.constant 4 : i32
      %gather3A_810 = arith.constant 0 : i32
      %gather3A_811 = arith.constant 0 : i32
      %gather3A_812 = tpu.memref_slice %arg7[%gather3A_809, %gather3A_810, %gather3A_811] : memref<8x64x128xf32, #tpu.memory_space<vmem>> -> memref<1x64x128xf32, #tpu.memory_space<vmem>>
      %gather3A_813 = tpu.memref_squeeze %gather3A_812 : memref<1x64x128xf32, #tpu.memory_space<vmem>> -> memref<64x128xf32, #tpu.memory_space<vmem>>
      %gather3A_814 = tpu.vector_load_idx %gather3A_813[%add3A_808, %broadcast_in_dim3A_772] : memref<64x128xf32, #tpu.memory_space<vmem>>[vector<16xi32>, vector<16xi32>], vector<16xf32>,
      %swap3A_815 = arith.constant 308 : index
      %swap3A_816 = tpu.vector_load %arg8[%swap3A_815] {strides = array<i32>} : memref<536xf32, #tpu.memory_space<vmem>>, vector<16xf32>,
      tpu.vector_store %arg8[%swap3A_815], %gather3A_814 {strides = array<i32>} : memref<536xf32, #tpu.memory_space<vmem>>, vector<16xf32>,
      %get3A_817 = arith.constant 324 : index
      %get3A_818 = tpu.vector_load %arg8[%get3A_817] {strides = array<i32>} : memref<536xf32, #tpu.memory_space<vmem>>, vector<16xf32>,
      %eq3A_819 = arith.constant 0 : i32
      %eq3A_820 = vector.broadcast %eq3A_819 : i32 to vector<16xi32>
      %eq3A_821 = arith.cmpi eq, %iota3A, %eq3A_820 : vector<16xi32>
      %slice3A_822 = vector.extract_strided_slice %convert_element_type3A_381 {offsets = [4], sizes = [1], strides = [1]} : vector<16xf32> to vector<1xf32>
      %squeeze3A_823 = vector.extract %slice3A_822[0] : f32 from vector<1xf32>
      %broadcast_in_dim3A_824 = vector.broadcast %squeeze3A_823 : f32 to vector<16xf32>
      %select_n3A_825 = arith.select %eq3A_821, %broadcast_in_dim3A_824, %get3A_818 : vector<16xi1>, vector<16xf32>
      %swap3A_826 = arith.constant 324 : index
      %swap3A_827 = tpu.vector_load %arg8[%swap3A_826] {strides = array<i32>} : memref<536xf32, #tpu.memory_space<vmem>>, vector<16xf32>,
      tpu.vector_store %arg8[%swap3A_826], %select_n3A_825 {strides = array<i32>} : memref<536xf32, #tpu.memory_space<vmem>>, vector<16xf32>,
      %dma_wait3A_828 = arith.constant 5 : i32
      %dma_wait3A_829 = arith.constant 5 : i32
      %dma_wait3A_830 = arith.constant 0 : i32
      %dma_wait3A_831 = arith.constant 0 : i32
      %dma_wait3A_832 = tpu.memref_slice %arg7[%dma_wait3A_828, %dma_wait3A_830, %dma_wait3A_831] : memref<8x64x128xf32, #tpu.memory_space<vmem>> -> memref<1x64x128xf32, #tpu.memory_space<vmem>>
      %dma_wait3A_833 = tpu.memref_squeeze %dma_wait3A_832 : memref<1x64x128xf32, #tpu.memory_space<vmem>> -> memref<64x128xf32, #tpu.memory_space<vmem>>
      %dma_wait3A_834 = arith.constant 0 : i32
      %dma_wait3A_835 = tpu.memref_slice %arg3[%dma_wait3A_834, %multiple_of3A_266] : memref<64x1000001xf32, #tpu.memory_space<hbm>> -> memref<64x128xf32, #tpu.memory_space<hbm>>
      %dma_wait3A_836 = tpu.memref_slice %arg10[%dma_wait3A_829] : memref<8x!tpu.dma_semaphore, #tpu.memory_space<semaphore_mem>> -> memref<1x!tpu.dma_semaphore, #tpu.memory_space<semaphore_mem>>
      %dma_wait3A_837 = tpu.memref_squeeze %dma_wait3A_836 : memref<1x!tpu.dma_semaphore, #tpu.memory_space<semaphore_mem>> -> memref<!tpu.dma_semaphore, #tpu.memory_space<semaphore_mem>>
      %dma_wait3A_838 = arith.constant 0 : i32
      %dma_wait3A_839 = arith.constant 0 : i32
      %dma_wait3A_840 = tpu.memref_slice %arg7[%dma_wait3A_828, %dma_wait3A_838, %dma_wait3A_839] : memref<8x64x128xf32, #tpu.memory_space<vmem>> -> memref<1x64x128xf32, #tpu.memory_space<vmem>>
      %dma_wait3A_841 = tpu.memref_squeeze %dma_wait3A_840 : memref<1x64x128xf32, #tpu.memory_space<vmem>> -> memref<64x128xf32, #tpu.memory_space<vmem>>
      %dma_wait3A_842 = arith.constant 0 : i32
      %dma_wait3A_843 = tpu.memref_slice %arg3[%dma_wait3A_842, %multiple_of3A_266] : memref<64x1000001xf32, #tpu.memory_space<hbm>> -> memref<64x128xf32, #tpu.memory_space<hbm>>
      tpu.wait_dma2 semaphore(%dma_wait3A_837 : memref<!tpu.dma_semaphore, #tpu.memory_space<semaphore_mem>>) src(%dma_wait3A_843 : memref<64x128xf32, #tpu.memory_space<hbm>>) dst(%dma_wait3A_841 : memref<64x128xf32, #tpu.memory_space<vmem>>)
      %slice3A_844 = vector.extract_strided_slice %get3A_23 {offsets = [5], sizes = [1], strides = [1]} : vector<16xi32> to vector<1xi32>
      %squeeze3A_845 = vector.extract %slice3A_844[0] : i32 from vector<1xi32>
      %jit3A_846 = arith.constant 128 : i32
      %eq3A_847 = arith.constant 0 : i32
      %eq3A_848 = arith.cmpi eq, %jit3A_846, %eq3A_847 : i32
      %jit3A_849 = arith.constant 1 : i32
      %select_n3A_850 = arith.select %eq3A_848, %jit3A_849, %jit3A_846 : i32
      %rem3A_851 = arith.remsi %squeeze3A_845, %select_n3A_850 : i32
      %ne3A_852 = arith.constant 0 : i32
      %ne3A_853 = arith.cmpi ne, %rem3A_851, %ne3A_852 : i32
      %lt3A_854 = arith.constant 0 : i32
      %lt3A_855 = arith.cmpi slt, %rem3A_851, %lt3A_854 : i32
      %lt3A_856 = arith.constant 0 : i32
      %lt3A_857 = arith.cmpi slt, %select_n3A_850, %lt3A_856 : i32
      %ne3A_858 = arith.xori %lt3A_855, %lt3A_857 : i1
      %and3A_859 = arith.andi %ne3A_858, %ne3A_853 : i1
      %add3A_860 = arith.addi %rem3A_851, %select_n3A_850 : i32
      %select_n3A_861 = arith.select %and3A_859, %add3A_860, %rem3A_851 : i32
      %broadcast_in_dim3A_862 = vector.broadcast %select_n3A_861 : i32 to vector<16xi32>
      %add3A_863 = arith.constant 0 : i32
      %add3A_864 = vector.broadcast %add3A_863 : i32 to vector<16xi32>
      %add3A_865 = arith.addi %iota3A, %add3A_864 : vector<16xi32>
      %gather3A_866 = arith.constant 5 : i32
      %gather3A_867 = arith.constant 0 : i32
      %gather3A_868 = arith.constant 0 : i32
      %gather3A_869 = tpu.memref_slice %arg7[%gather3A_866, %gather3A_867, %gather3A_868] : memref<8x64x128xf32, #tpu.memory_space<vmem>> -> memref<1x64x128xf32, #tpu.memory_space<vmem>>
      %gather3A_870 = tpu.memref_squeeze %gather3A_869 : memref<1x64x128xf32, #tpu.memory_space<vmem>> -> memref<64x128xf32, #tpu.memory_space<vmem>>
      %gather3A_871 = tpu.vector_load_idx %gather3A_870[%add3A_865, %broadcast_in_dim3A_862] : memref<64x128xf32, #tpu.memory_space<vmem>>[vector<16xi32>, vector<16xi32>], vector<16xf32>,
      %swap3A_872 = arith.constant 325 : index
      %swap3A_873 = tpu.vector_load %arg8[%swap3A_872] {strides = array<i32>} : memref<536xf32, #tpu.memory_space<vmem>>, vector<16xf32>,
      tpu.vector_store %arg8[%swap3A_872], %gather3A_871 {strides = array<i32>} : memref<536xf32, #tpu.memory_space<vmem>>, vector<16xf32>,
      %add3A_874 = arith.constant 16 : i32
      %add3A_875 = vector.broadcast %add3A_874 : i32 to vector<16xi32>
      %add3A_876 = arith.addi %iota3A, %add3A_875 : vector<16xi32>
      %gather3A_877 = arith.constant 5 : i32
      %gather3A_878 = arith.constant 0 : i32
      %gather3A_879 = arith.constant 0 : i32
      %gather3A_880 = tpu.memref_slice %arg7[%gather3A_877, %gather3A_878, %gather3A_879] : memref<8x64x128xf32, #tpu.memory_space<vmem>> -> memref<1x64x128xf32, #tpu.memory_space<vmem>>
      %gather3A_881 = tpu.memref_squeeze %gather3A_880 : memref<1x64x128xf32, #tpu.memory_space<vmem>> -> memref<64x128xf32, #tpu.memory_space<vmem>>
      %gather3A_882 = tpu.vector_load_idx %gather3A_881[%add3A_876, %broadcast_in_dim3A_862] : memref<64x128xf32, #tpu.memory_space<vmem>>[vector<16xi32>, vector<16xi32>], vector<16xf32>,
      %swap3A_883 = arith.constant 341 : index
      %swap3A_884 = tpu.vector_load %arg8[%swap3A_883] {strides = array<i32>} : memref<536xf32, #tpu.memory_space<vmem>>, vector<16xf32>,
      tpu.vector_store %arg8[%swap3A_883], %gather3A_882 {strides = array<i32>} : memref<536xf32, #tpu.memory_space<vmem>>, vector<16xf32>,
      %add3A_885 = arith.constant 32 : i32
      %add3A_886 = vector.broadcast %add3A_885 : i32 to vector<16xi32>
      %add3A_887 = arith.addi %iota3A, %add3A_886 : vector<16xi32>
      %gather3A_888 = arith.constant 5 : i32
      %gather3A_889 = arith.constant 0 : i32
      %gather3A_890 = arith.constant 0 : i32
      %gather3A_891 = tpu.memref_slice %arg7[%gather3A_888, %gather3A_889, %gather3A_890] : memref<8x64x128xf32, #tpu.memory_space<vmem>> -> memref<1x64x128xf32, #tpu.memory_space<vmem>>
      %gather3A_892 = tpu.memref_squeeze %gather3A_891 : memref<1x64x128xf32, #tpu.memory_space<vmem>> -> memref<64x128xf32, #tpu.memory_space<vmem>>
      %gather3A_893 = tpu.vector_load_idx %gather3A_892[%add3A_887, %broadcast_in_dim3A_862] : memref<64x128xf32, #tpu.memory_space<vmem>>[vector<16xi32>, vector<16xi32>], vector<16xf32>,
      %swap3A_894 = arith.constant 357 : index
      %swap3A_895 = tpu.vector_load %arg8[%swap3A_894] {strides = array<i32>} : memref<536xf32, #tpu.memory_space<vmem>>, vector<16xf32>,
      tpu.vector_store %arg8[%swap3A_894], %gather3A_893 {strides = array<i32>} : memref<536xf32, #tpu.memory_space<vmem>>, vector<16xf32>,
      %add3A_896 = arith.constant 48 : i32
      %add3A_897 = vector.broadcast %add3A_896 : i32 to vector<16xi32>
      %add3A_898 = arith.addi %iota3A, %add3A_897 : vector<16xi32>
      %gather3A_899 = arith.constant 5 : i32
      %gather3A_900 = arith.constant 0 : i32
      %gather3A_901 = arith.constant 0 : i32
      %gather3A_902 = tpu.memref_slice %arg7[%gather3A_899, %gather3A_900, %gather3A_901] : memref<8x64x128xf32, #tpu.memory_space<vmem>> -> memref<1x64x128xf32, #tpu.memory_space<vmem>>
      %gather3A_903 = tpu.memref_squeeze %gather3A_902 : memref<1x64x128xf32, #tpu.memory_space<vmem>> -> memref<64x128xf32, #tpu.memory_space<vmem>>
      %gather3A_904 = tpu.vector_load_idx %gather3A_903[%add3A_898, %broadcast_in_dim3A_862] : memref<64x128xf32, #tpu.memory_space<vmem>>[vector<16xi32>, vector<16xi32>], vector<16xf32>,
      %swap3A_905 = arith.constant 373 : index
      %swap3A_906 = tpu.vector_load %arg8[%swap3A_905] {strides = array<i32>} : memref<536xf32, #tpu.memory_space<vmem>>, vector<16xf32>,
      tpu.vector_store %arg8[%swap3A_905], %gather3A_904 {strides = array<i32>} : memref<536xf32, #tpu.memory_space<vmem>>, vector<16xf32>,
      %get3A_907 = arith.constant 389 : index
      %get3A_908 = tpu.vector_load %arg8[%get3A_907] {strides = array<i32>} : memref<536xf32, #tpu.memory_space<vmem>>, vector<16xf32>,
      %eq3A_909 = arith.constant 0 : i32
      %eq3A_910 = vector.broadcast %eq3A_909 : i32 to vector<16xi32>
      %eq3A_911 = arith.cmpi eq, %iota3A, %eq3A_910 : vector<16xi32>
      %slice3A_912 = vector.extract_strided_slice %convert_element_type3A_381 {offsets = [5], sizes = [1], strides = [1]} : vector<16xf32> to vector<1xf32>
      %squeeze3A_913 = vector.extract %slice3A_912[0] : f32 from vector<1xf32>
      %broadcast_in_dim3A_914 = vector.broadcast %squeeze3A_913 : f32 to vector<16xf32>
      %select_n3A_915 = arith.select %eq3A_911, %broadcast_in_dim3A_914, %get3A_908 : vector<16xi1>, vector<16xf32>
      %swap3A_916 = arith.constant 389 : index
      %swap3A_917 = tpu.vector_load %arg8[%swap3A_916] {strides = array<i32>} : memref<536xf32, #tpu.memory_space<vmem>>, vector<16xf32>,
      tpu.vector_store %arg8[%swap3A_916], %select_n3A_915 {strides = array<i32>} : memref<536xf32, #tpu.memory_space<vmem>>, vector<16xf32>,
      %dma_wait3A_918 = arith.constant 6 : i32
      %dma_wait3A_919 = arith.constant 6 : i32
      %dma_wait3A_920 = arith.constant 0 : i32
      %dma_wait3A_921 = arith.constant 0 : i32
      %dma_wait3A_922 = tpu.memref_slice %arg7[%dma_wait3A_918, %dma_wait3A_920, %dma_wait3A_921] : memref<8x64x128xf32, #tpu.memory_space<vmem>> -> memref<1x64x128xf32, #tpu.memory_space<vmem>>
      %dma_wait3A_923 = tpu.memref_squeeze %dma_wait3A_922 : memref<1x64x128xf32, #tpu.memory_space<vmem>> -> memref<64x128xf32, #tpu.memory_space<vmem>>
      %dma_wait3A_924 = arith.constant 0 : i32
      %dma_wait3A_925 = tpu.memref_slice %arg3[%dma_wait3A_924, %multiple_of3A_311] : memref<64x1000001xf32, #tpu.memory_space<hbm>> -> memref<64x128xf32, #tpu.memory_space<hbm>>
      %dma_wait3A_926 = tpu.memref_slice %arg10[%dma_wait3A_919] : memref<8x!tpu.dma_semaphore, #tpu.memory_space<semaphore_mem>> -> memref<1x!tpu.dma_semaphore, #tpu.memory_space<semaphore_mem>>
      %dma_wait3A_927 = tpu.memref_squeeze %dma_wait3A_926 : memref<1x!tpu.dma_semaphore, #tpu.memory_space<semaphore_mem>> -> memref<!tpu.dma_semaphore, #tpu.memory_space<semaphore_mem>>
      %dma_wait3A_928 = arith.constant 0 : i32
      %dma_wait3A_929 = arith.constant 0 : i32
      %dma_wait3A_930 = tpu.memref_slice %arg7[%dma_wait3A_918, %dma_wait3A_928, %dma_wait3A_929] : memref<8x64x128xf32, #tpu.memory_space<vmem>> -> memref<1x64x128xf32, #tpu.memory_space<vmem>>
      %dma_wait3A_931 = tpu.memref_squeeze %dma_wait3A_930 : memref<1x64x128xf32, #tpu.memory_space<vmem>> -> memref<64x128xf32, #tpu.memory_space<vmem>>
      %dma_wait3A_932 = arith.constant 0 : i32
      %dma_wait3A_933 = tpu.memref_slice %arg3[%dma_wait3A_932, %multiple_of3A_311] : memref<64x1000001xf32, #tpu.memory_space<hbm>> -> memref<64x128xf32, #tpu.memory_space<hbm>>
      tpu.wait_dma2 semaphore(%dma_wait3A_927 : memref<!tpu.dma_semaphore, #tpu.memory_space<semaphore_mem>>) src(%dma_wait3A_933 : memref<64x128xf32, #tpu.memory_space<hbm>>) dst(%dma_wait3A_931 : memref<64x128xf32, #tpu.memory_space<vmem>>)
      %slice3A_934 = vector.extract_strided_slice %get3A_23 {offsets = [6], sizes = [1], strides = [1]} : vector<16xi32> to vector<1xi32>
      %squeeze3A_935 = vector.extract %slice3A_934[0] : i32 from vector<1xi32>
      %jit3A_936 = arith.constant 128 : i32
      %eq3A_937 = arith.constant 0 : i32
      %eq3A_938 = arith.cmpi eq, %jit3A_936, %eq3A_937 : i32
      %jit3A_939 = arith.constant 1 : i32
      %select_n3A_940 = arith.select %eq3A_938, %jit3A_939, %jit3A_936 : i32
      %rem3A_941 = arith.remsi %squeeze3A_935, %select_n3A_940 : i32
      %ne3A_942 = arith.constant 0 : i32
      %ne3A_943 = arith.cmpi ne, %rem3A_941, %ne3A_942 : i32
      %lt3A_944 = arith.constant 0 : i32
      %lt3A_945 = arith.cmpi slt, %rem3A_941, %lt3A_944 : i32
      %lt3A_946 = arith.constant 0 : i32
      %lt3A_947 = arith.cmpi slt, %select_n3A_940, %lt3A_946 : i32
      %ne3A_948 = arith.xori %lt3A_945, %lt3A_947 : i1
      %and3A_949 = arith.andi %ne3A_948, %ne3A_943 : i1
      %add3A_950 = arith.addi %rem3A_941, %select_n3A_940 : i32
      %select_n3A_951 = arith.select %and3A_949, %add3A_950, %rem3A_941 : i32
      %broadcast_in_dim3A_952 = vector.broadcast %select_n3A_951 : i32 to vector<16xi32>
      %add3A_953 = arith.constant 0 : i32
      %add3A_954 = vector.broadcast %add3A_953 : i32 to vector<16xi32>
      %add3A_955 = arith.addi %iota3A, %add3A_954 : vector<16xi32>
      %gather3A_956 = arith.constant 6 : i32
      %gather3A_957 = arith.constant 0 : i32
      %gather3A_958 = arith.constant 0 : i32
      %gather3A_959 = tpu.memref_slice %arg7[%gather3A_956, %gather3A_957, %gather3A_958] : memref<8x64x128xf32, #tpu.memory_space<vmem>> -> memref<1x64x128xf32, #tpu.memory_space<vmem>>
      %gather3A_960 = tpu.memref_squeeze %gather3A_959 : memref<1x64x128xf32, #tpu.memory_space<vmem>> -> memref<64x128xf32, #tpu.memory_space<vmem>>
      %gather3A_961 = tpu.vector_load_idx %gather3A_960[%add3A_955, %broadcast_in_dim3A_952] : memref<64x128xf32, #tpu.memory_space<vmem>>[vector<16xi32>, vector<16xi32>], vector<16xf32>,
      %swap3A_962 = arith.constant 390 : index
      %swap3A_963 = tpu.vector_load %arg8[%swap3A_962] {strides = array<i32>} : memref<536xf32, #tpu.memory_space<vmem>>, vector<16xf32>,
      tpu.vector_store %arg8[%swap3A_962], %gather3A_961 {strides = array<i32>} : memref<536xf32, #tpu.memory_space<vmem>>, vector<16xf32>,
      %add3A_964 = arith.constant 16 : i32
      %add3A_965 = vector.broadcast %add3A_964 : i32 to vector<16xi32>
      %add3A_966 = arith.addi %iota3A, %add3A_965 : vector<16xi32>
      %gather3A_967 = arith.constant 6 : i32
      %gather3A_968 = arith.constant 0 : i32
      %gather3A_969 = arith.constant 0 : i32
      %gather3A_970 = tpu.memref_slice %arg7[%gather3A_967, %gather3A_968, %gather3A_969] : memref<8x64x128xf32, #tpu.memory_space<vmem>> -> memref<1x64x128xf32, #tpu.memory_space<vmem>>
      %gather3A_971 = tpu.memref_squeeze %gather3A_970 : memref<1x64x128xf32, #tpu.memory_space<vmem>> -> memref<64x128xf32, #tpu.memory_space<vmem>>
      %gather3A_972 = tpu.vector_load_idx %gather3A_971[%add3A_966, %broadcast_in_dim3A_952] : memref<64x128xf32, #tpu.memory_space<vmem>>[vector<16xi32>, vector<16xi32>], vector<16xf32>,
      %swap3A_973 = arith.constant 406 : index
      %swap3A_974 = tpu.vector_load %arg8[%swap3A_973] {strides = array<i32>} : memref<536xf32, #tpu.memory_space<vmem>>, vector<16xf32>,
      tpu.vector_store %arg8[%swap3A_973], %gather3A_972 {strides = array<i32>} : memref<536xf32, #tpu.memory_space<vmem>>, vector<16xf32>,
      %add3A_975 = arith.constant 32 : i32
      %add3A_976 = vector.broadcast %add3A_975 : i32 to vector<16xi32>
      %add3A_977 = arith.addi %iota3A, %add3A_976 : vector<16xi32>
      %gather3A_978 = arith.constant 6 : i32
      %gather3A_979 = arith.constant 0 : i32
      %gather3A_980 = arith.constant 0 : i32
      %gather3A_981 = tpu.memref_slice %arg7[%gather3A_978, %gather3A_979, %gather3A_980] : memref<8x64x128xf32, #tpu.memory_space<vmem>> -> memref<1x64x128xf32, #tpu.memory_space<vmem>>
      %gather3A_982 = tpu.memref_squeeze %gather3A_981 : memref<1x64x128xf32, #tpu.memory_space<vmem>> -> memref<64x128xf32, #tpu.memory_space<vmem>>
      %gather3A_983 = tpu.vector_load_idx %gather3A_982[%add3A_977, %broadcast_in_dim3A_952] : memref<64x128xf32, #tpu.memory_space<vmem>>[vector<16xi32>, vector<16xi32>], vector<16xf32>,
      %swap3A_984 = arith.constant 422 : index
      %swap3A_985 = tpu.vector_load %arg8[%swap3A_984] {strides = array<i32>} : memref<536xf32, #tpu.memory_space<vmem>>, vector<16xf32>,
      tpu.vector_store %arg8[%swap3A_984], %gather3A_983 {strides = array<i32>} : memref<536xf32, #tpu.memory_space<vmem>>, vector<16xf32>,
      %add3A_986 = arith.constant 48 : i32
      %add3A_987 = vector.broadcast %add3A_986 : i32 to vector<16xi32>
      %add3A_988 = arith.addi %iota3A, %add3A_987 : vector<16xi32>
      %gather3A_989 = arith.constant 6 : i32
      %gather3A_990 = arith.constant 0 : i32
      %gather3A_991 = arith.constant 0 : i32
      %gather3A_992 = tpu.memref_slice %arg7[%gather3A_989, %gather3A_990, %gather3A_991] : memref<8x64x128xf32, #tpu.memory_space<vmem>> -> memref<1x64x128xf32, #tpu.memory_space<vmem>>
      %gather3A_993 = tpu.memref_squeeze %gather3A_992 : memref<1x64x128xf32, #tpu.memory_space<vmem>> -> memref<64x128xf32, #tpu.memory_space<vmem>>
      %gather3A_994 = tpu.vector_load_idx %gather3A_993[%add3A_988, %broadcast_in_dim3A_952] : memref<64x128xf32, #tpu.memory_space<vmem>>[vector<16xi32>, vector<16xi32>], vector<16xf32>,
      %swap3A_995 = arith.constant 438 : index
      %swap3A_996 = tpu.vector_load %arg8[%swap3A_995] {strides = array<i32>} : memref<536xf32, #tpu.memory_space<vmem>>, vector<16xf32>,
      tpu.vector_store %arg8[%swap3A_995], %gather3A_994 {strides = array<i32>} : memref<536xf32, #tpu.memory_space<vmem>>, vector<16xf32>,
      %get3A_997 = arith.constant 454 : index
      %get3A_998 = tpu.vector_load %arg8[%get3A_997] {strides = array<i32>} : memref<536xf32, #tpu.memory_space<vmem>>, vector<16xf32>,
      %eq3A_999 = arith.constant 0 : i32
      %eq3A_1000 = vector.broadcast %eq3A_999 : i32 to vector<16xi32>
      %eq3A_1001 = arith.cmpi eq, %iota3A, %eq3A_1000 : vector<16xi32>
      %slice3A_1002 = vector.extract_strided_slice %convert_element_type3A_381 {offsets = [6], sizes = [1], strides = [1]} : vector<16xf32> to vector<1xf32>
      %squeeze3A_1003 = vector.extract %slice3A_1002[0] : f32 from vector<1xf32>
      %broadcast_in_dim3A_1004 = vector.broadcast %squeeze3A_1003 : f32 to vector<16xf32>
      %select_n3A_1005 = arith.select %eq3A_1001, %broadcast_in_dim3A_1004, %get3A_998 : vector<16xi1>, vector<16xf32>
      %swap3A_1006 = arith.constant 454 : index
      %swap3A_1007 = tpu.vector_load %arg8[%swap3A_1006] {strides = array<i32>} : memref<536xf32, #tpu.memory_space<vmem>>, vector<16xf32>,
      tpu.vector_store %arg8[%swap3A_1006], %select_n3A_1005 {strides = array<i32>} : memref<536xf32, #tpu.memory_space<vmem>>, vector<16xf32>,
      %dma_wait3A_1008 = arith.constant 7 : i32
      %dma_wait3A_1009 = arith.constant 7 : i32
      %dma_wait3A_1010 = arith.constant 0 : i32
      %dma_wait3A_1011 = arith.constant 0 : i32
      %dma_wait3A_1012 = tpu.memref_slice %arg7[%dma_wait3A_1008, %dma_wait3A_1010, %dma_wait3A_1011] : memref<8x64x128xf32, #tpu.memory_space<vmem>> -> memref<1x64x128xf32, #tpu.memory_space<vmem>>
      %dma_wait3A_1013 = tpu.memref_squeeze %dma_wait3A_1012 : memref<1x64x128xf32, #tpu.memory_space<vmem>> -> memref<64x128xf32, #tpu.memory_space<vmem>>
      %dma_wait3A_1014 = arith.constant 0 : i32
      %dma_wait3A_1015 = tpu.memref_slice %arg3[%dma_wait3A_1014, %multiple_of3A_356] : memref<64x1000001xf32, #tpu.memory_space<hbm>> -> memref<64x128xf32, #tpu.memory_space<hbm>>
      %dma_wait3A_1016 = tpu.memref_slice %arg10[%dma_wait3A_1009] : memref<8x!tpu.dma_semaphore, #tpu.memory_space<semaphore_mem>> -> memref<1x!tpu.dma_semaphore, #tpu.memory_space<semaphore_mem>>
      %dma_wait3A_1017 = tpu.memref_squeeze %dma_wait3A_1016 : memref<1x!tpu.dma_semaphore, #tpu.memory_space<semaphore_mem>> -> memref<!tpu.dma_semaphore, #tpu.memory_space<semaphore_mem>>
      %dma_wait3A_1018 = arith.constant 0 : i32
      %dma_wait3A_1019 = arith.constant 0 : i32
      %dma_wait3A_1020 = tpu.memref_slice %arg7[%dma_wait3A_1008, %dma_wait3A_1018, %dma_wait3A_1019] : memref<8x64x128xf32, #tpu.memory_space<vmem>> -> memref<1x64x128xf32, #tpu.memory_space<vmem>>
      %dma_wait3A_1021 = tpu.memref_squeeze %dma_wait3A_1020 : memref<1x64x128xf32, #tpu.memory_space<vmem>> -> memref<64x128xf32, #tpu.memory_space<vmem>>
      %dma_wait3A_1022 = arith.constant 0 : i32
      %dma_wait3A_1023 = tpu.memref_slice %arg3[%dma_wait3A_1022, %multiple_of3A_356] : memref<64x1000001xf32, #tpu.memory_space<hbm>> -> memref<64x128xf32, #tpu.memory_space<hbm>>
      tpu.wait_dma2 semaphore(%dma_wait3A_1017 : memref<!tpu.dma_semaphore, #tpu.memory_space<semaphore_mem>>) src(%dma_wait3A_1023 : memref<64x128xf32, #tpu.memory_space<hbm>>) dst(%dma_wait3A_1021 : memref<64x128xf32, #tpu.memory_space<vmem>>)
      %slice3A_1024 = vector.extract_strided_slice %get3A_23 {offsets = [7], sizes = [1], strides = [1]} : vector<16xi32> to vector<1xi32>
      %squeeze3A_1025 = vector.extract %slice3A_1024[0] : i32 from vector<1xi32>
      %jit3A_1026 = arith.constant 128 : i32
      %eq3A_1027 = arith.constant 0 : i32
      %eq3A_1028 = arith.cmpi eq, %jit3A_1026, %eq3A_1027 : i32
      %jit3A_1029 = arith.constant 1 : i32
      %select_n3A_1030 = arith.select %eq3A_1028, %jit3A_1029, %jit3A_1026 : i32
      %rem3A_1031 = arith.remsi %squeeze3A_1025, %select_n3A_1030 : i32
      %ne3A_1032 = arith.constant 0 : i32
      %ne3A_1033 = arith.cmpi ne, %rem3A_1031, %ne3A_1032 : i32
      %lt3A_1034 = arith.constant 0 : i32
      %lt3A_1035 = arith.cmpi slt, %rem3A_1031, %lt3A_1034 : i32
      %lt3A_1036 = arith.constant 0 : i32
      %lt3A_1037 = arith.cmpi slt, %select_n3A_1030, %lt3A_1036 : i32
      %ne3A_1038 = arith.xori %lt3A_1035, %lt3A_1037 : i1
      %and3A_1039 = arith.andi %ne3A_1038, %ne3A_1033 : i1
      %add3A_1040 = arith.addi %rem3A_1031, %select_n3A_1030 : i32
      %select_n3A_1041 = arith.select %and3A_1039, %add3A_1040, %rem3A_1031 : i32
      %broadcast_in_dim3A_1042 = vector.broadcast %select_n3A_1041 : i32 to vector<16xi32>
      %add3A_1043 = arith.constant 0 : i32
      %add3A_1044 = vector.broadcast %add3A_1043 : i32 to vector<16xi32>
      %add3A_1045 = arith.addi %iota3A, %add3A_1044 : vector<16xi32>
      %gather3A_1046 = arith.constant 7 : i32
      %gather3A_1047 = arith.constant 0 : i32
      %gather3A_1048 = arith.constant 0 : i32
      %gather3A_1049 = tpu.memref_slice %arg7[%gather3A_1046, %gather3A_1047, %gather3A_1048] : memref<8x64x128xf32, #tpu.memory_space<vmem>> -> memref<1x64x128xf32, #tpu.memory_space<vmem>>
      %gather3A_1050 = tpu.memref_squeeze %gather3A_1049 : memref<1x64x128xf32, #tpu.memory_space<vmem>> -> memref<64x128xf32, #tpu.memory_space<vmem>>
      %gather3A_1051 = tpu.vector_load_idx %gather3A_1050[%add3A_1045, %broadcast_in_dim3A_1042] : memref<64x128xf32, #tpu.memory_space<vmem>>[vector<16xi32>, vector<16xi32>], vector<16xf32>,
      %swap3A_1052 = arith.constant 455 : index
      %swap3A_1053 = tpu.vector_load %arg8[%swap3A_1052] {strides = array<i32>} : memref<536xf32, #tpu.memory_space<vmem>>, vector<16xf32>,
      tpu.vector_store %arg8[%swap3A_1052], %gather3A_1051 {strides = array<i32>} : memref<536xf32, #tpu.memory_space<vmem>>, vector<16xf32>,
      %add3A_1054 = arith.constant 16 : i32
      %add3A_1055 = vector.broadcast %add3A_1054 : i32 to vector<16xi32>
      %add3A_1056 = arith.addi %iota3A, %add3A_1055 : vector<16xi32>
      %gather3A_1057 = arith.constant 7 : i32
      %gather3A_1058 = arith.constant 0 : i32
      %gather3A_1059 = arith.constant 0 : i32
      %gather3A_1060 = tpu.memref_slice %arg7[%gather3A_1057, %gather3A_1058, %gather3A_1059] : memref<8x64x128xf32, #tpu.memory_space<vmem>> -> memref<1x64x128xf32, #tpu.memory_space<vmem>>
      %gather3A_1061 = tpu.memref_squeeze %gather3A_1060 : memref<1x64x128xf32, #tpu.memory_space<vmem>> -> memref<64x128xf32, #tpu.memory_space<vmem>>
      %gather3A_1062 = tpu.vector_load_idx %gather3A_1061[%add3A_1056, %broadcast_in_dim3A_1042] : memref<64x128xf32, #tpu.memory_space<vmem>>[vector<16xi32>, vector<16xi32>], vector<16xf32>,
      %swap3A_1063 = arith.constant 471 : index
      %swap3A_1064 = tpu.vector_load %arg8[%swap3A_1063] {strides = array<i32>} : memref<536xf32, #tpu.memory_space<vmem>>, vector<16xf32>,
      tpu.vector_store %arg8[%swap3A_1063], %gather3A_1062 {strides = array<i32>} : memref<536xf32, #tpu.memory_space<vmem>>, vector<16xf32>,
      %add3A_1065 = arith.constant 32 : i32
      %add3A_1066 = vector.broadcast %add3A_1065 : i32 to vector<16xi32>
      %add3A_1067 = arith.addi %iota3A, %add3A_1066 : vector<16xi32>
      %gather3A_1068 = arith.constant 7 : i32
      %gather3A_1069 = arith.constant 0 : i32
      %gather3A_1070 = arith.constant 0 : i32
      %gather3A_1071 = tpu.memref_slice %arg7[%gather3A_1068, %gather3A_1069, %gather3A_1070] : memref<8x64x128xf32, #tpu.memory_space<vmem>> -> memref<1x64x128xf32, #tpu.memory_space<vmem>>
      %gather3A_1072 = tpu.memref_squeeze %gather3A_1071 : memref<1x64x128xf32, #tpu.memory_space<vmem>> -> memref<64x128xf32, #tpu.memory_space<vmem>>
      %gather3A_1073 = tpu.vector_load_idx %gather3A_1072[%add3A_1067, %broadcast_in_dim3A_1042] : memref<64x128xf32, #tpu.memory_space<vmem>>[vector<16xi32>, vector<16xi32>], vector<16xf32>,
      %swap3A_1074 = arith.constant 487 : index
      %swap3A_1075 = tpu.vector_load %arg8[%swap3A_1074] {strides = array<i32>} : memref<536xf32, #tpu.memory_space<vmem>>, vector<16xf32>,
      tpu.vector_store %arg8[%swap3A_1074], %gather3A_1073 {strides = array<i32>} : memref<536xf32, #tpu.memory_space<vmem>>, vector<16xf32>,
      %add3A_1076 = arith.constant 48 : i32
      %add3A_1077 = vector.broadcast %add3A_1076 : i32 to vector<16xi32>
      %add3A_1078 = arith.addi %iota3A, %add3A_1077 : vector<16xi32>
      %gather3A_1079 = arith.constant 7 : i32
      %gather3A_1080 = arith.constant 0 : i32
      %gather3A_1081 = arith.constant 0 : i32
      %gather3A_1082 = tpu.memref_slice %arg7[%gather3A_1079, %gather3A_1080, %gather3A_1081] : memref<8x64x128xf32, #tpu.memory_space<vmem>> -> memref<1x64x128xf32, #tpu.memory_space<vmem>>
      %gather3A_1083 = tpu.memref_squeeze %gather3A_1082 : memref<1x64x128xf32, #tpu.memory_space<vmem>> -> memref<64x128xf32, #tpu.memory_space<vmem>>
      %gather3A_1084 = tpu.vector_load_idx %gather3A_1083[%add3A_1078, %broadcast_in_dim3A_1042] : memref<64x128xf32, #tpu.memory_space<vmem>>[vector<16xi32>, vector<16xi32>], vector<16xf32>,
      %swap3A_1085 = arith.constant 503 : index
      %swap3A_1086 = tpu.vector_load %arg8[%swap3A_1085] {strides = array<i32>} : memref<536xf32, #tpu.memory_space<vmem>>, vector<16xf32>,
      tpu.vector_store %arg8[%swap3A_1085], %gather3A_1084 {strides = array<i32>} : memref<536xf32, #tpu.memory_space<vmem>>, vector<16xf32>,
      %get3A_1087 = arith.constant 519 : index
      %get3A_1088 = tpu.vector_load %arg8[%get3A_1087] {strides = array<i32>} : memref<536xf32, #tpu.memory_space<vmem>>, vector<16xf32>,
      %eq3A_1089 = arith.constant 0 : i32
      %eq3A_1090 = vector.broadcast %eq3A_1089 : i32 to vector<16xi32>
      %eq3A_1091 = arith.cmpi eq, %iota3A, %eq3A_1090 : vector<16xi32>
      %slice3A_1092 = vector.extract_strided_slice %convert_element_type3A_381 {offsets = [7], sizes = [1], strides = [1]} : vector<16xf32> to vector<1xf32>
      %squeeze3A_1093 = vector.extract %slice3A_1092[0] : f32 from vector<1xf32>
      %broadcast_in_dim3A_1094 = vector.broadcast %squeeze3A_1093 : f32 to vector<16xf32>
      %select_n3A_1095 = arith.select %eq3A_1091, %broadcast_in_dim3A_1094, %get3A_1088 : vector<16xi1>, vector<16xf32>
      %swap3A_1096 = arith.constant 519 : index
      %swap3A_1097 = tpu.vector_load %arg8[%swap3A_1096] {strides = array<i32>} : memref<536xf32, #tpu.memory_space<vmem>>, vector<16xf32>,
      tpu.vector_store %arg8[%swap3A_1096], %select_n3A_1095 {strides = array<i32>} : memref<536xf32, #tpu.memory_space<vmem>>, vector<16xf32>,
      %mul3A_1098 = arith.constant 65 : i32
      %mul3A_1099 = arith.muli %mul3A_4, %mul3A_1098 : i32
      "tpu.region"() ({
        %run_scoped3A = tpu.sem_alloc : memref<!tpu.dma_semaphore, #tpu.memory_space<semaphore_mem>>
        %dma_start3A_1100 = arith.constant 0 : i32
        %dma_start3A_1101 = tpu.memref_slice %arg8[%dma_start3A_1100] : memref<536xf32, #tpu.memory_space<vmem>> -> memref<520xf32, #tpu.memory_space<vmem>>
        %dma_start3A_1102 = tpu.memref_slice %arg4[%mul3A_1099] : memref<13000xf32, #tpu.memory_space<hbm>> -> memref<520xf32, #tpu.memory_space<hbm>>
        %dma_start3A_1103 = tpu.memref_slice %arg4[%mul3A_1099] : memref<13000xf32, #tpu.memory_space<hbm>> -> memref<520xf32, #tpu.memory_space<hbm>>
        %dma_start3A_1104 = arith.constant 0 : i32
        %dma_start3A_1105 = tpu.memref_slice %arg8[%dma_start3A_1104] : memref<536xf32, #tpu.memory_space<vmem>> -> memref<520xf32, #tpu.memory_space<vmem>>
        tpu.enqueue_dma source(%dma_start3A_1105 : memref<520xf32, #tpu.memory_space<vmem>>) target(%dma_start3A_1103 : memref<520xf32, #tpu.memory_space<hbm>>) target_semaphore(%run_scoped3A : memref<!tpu.dma_semaphore, #tpu.memory_space<semaphore_mem>>)
        %dma_wait3A_1106 = arith.constant 0 : i32
        %dma_wait3A_1107 = tpu.memref_slice %arg8[%dma_wait3A_1106] : memref<536xf32, #tpu.memory_space<vmem>> -> memref<520xf32, #tpu.memory_space<vmem>>
        %dma_wait3A_1108 = tpu.memref_slice %arg4[%mul3A_1099] : memref<13000xf32, #tpu.memory_space<hbm>> -> memref<520xf32, #tpu.memory_space<hbm>>
        %dma_wait3A_1109 = tpu.memref_slice %arg4[%mul3A_1099] : memref<13000xf32, #tpu.memory_space<hbm>> -> memref<520xf32, #tpu.memory_space<hbm>>
        %dma_wait3A_1110 = arith.constant 0 : i32
        %dma_wait3A_1111 = tpu.memref_slice %arg8[%dma_wait3A_1110] : memref<536xf32, #tpu.memory_space<vmem>> -> memref<520xf32, #tpu.memory_space<vmem>>
        tpu.wait_dma2 semaphore(%run_scoped3A : memref<!tpu.dma_semaphore, #tpu.memory_space<semaphore_mem>>) src(%dma_wait3A_1111 : memref<520xf32, #tpu.memory_space<vmem>>) dst(%dma_wait3A_1109 : memref<520xf32, #tpu.memory_space<hbm>>)
        tpu.yield
      }) : () -> ()
    } else {
    }
    return
  }
}

</mosaic_0001>

<sc_bundles>
// kernel: kernel.3.cloned.1.call-start
scs
__scs_entry_jumppad:
0x0: {  	(pc) =	sbr.rel $0x88, $3  }
0x1: {  	(tag) =	ssettag $0x0;
	lr =	simm.s32 $0x1  }
0x2: {  	[smem:$0x3F9F] =	sst lr;
	_ =	strace $0xD0000000  }
0x3: {  	_ = 	snop  }
0x4: {  	_ = 	snop  }
0x5: {  	_ = 	snop  }
0x6: {  	_ = 	snop  }
0x7: {  	_ = 	snop  }
__scs_overlays_trampoline_lowered:
0x8: {  	[smem:$0x3FAE] =	sst s0  }
0x9: {  	[smem:$0x3FAF] =	sst s1  }
0xa: {  	[smem:$0x3FB0] =	sst s2  }
0xb: {  	[smem:$0x3FB1] =	sst s3  }
0xc: {  	[smem:$0x3FB2] =	sst s4  }
0xd: {  	[smem:$0x3FB3] =	sst s5  }
0xe: {  	[smem:$0x3FB4] =	sst s6  }
0xf: {  	[smem:$0x3FB5] =	sst s7  }
0x10: {  	[smem:$0x3FB6] =	sst s8  }
0x11: {  	[smem:$0x3FB7] =	sst s9;
	s0 =	simm.s32 @!p0 $0x0  }
0x12: {  	s1 =	sld [smem:$0x3F9D];
	s0 =	simm.s32 @p0 $0x1  }
0x13: {  	[smem:$0x3FB8] =	sst s0;
	s0 =	simm.s32 @!p1 $0x0  }
0x14: {  	s2 =	sld [smem:$0x3F9C];
	s0 =	simm.s32 @p1 $0x1  }
0x15: {  	[smem:$0x3FB9] =	sst s0;
	s0 =	simm.s32 @!p2 $0x0  }
0x16: {  	s3 =	sld [smem:$0x3FDB];
	s0 =	simm.s32 @p2 $0x1  }
0x17: {  	s4 =	simm.s32 $0x1BF5;
	[smem:$0x3FBB] =	sst s0  }
0x18: {  	s0 =	sld [smem:$0x3F9E];
	_ =	swait.ge [sflag:s4], $0x0  }
0x19: {  	s7 =	sld [smem:$0x3F9F]  }
0x1a: {  	s8 =	sadd.s32 $0xFFFFE003, lr  }
0x1b: {  	s9 =	sadd.s32 $0xFFFFFEF7, lr;
	s5 =	simm.s32 $0xFFFFFFFF;
	p2 =	slt.u32 s8, $0xFFFFF086  }
0x1c: {  	p1 =	slt.u32 s9, $0xF7A;
	s5 =	simm.s32 @!p2 $0x0  }
0x1d: {  	s5 =	simm.s32 @p1 $0x1;
	p0 =	seq.s32 s7, s2  }
0x1e: {  	s7 =	smul.u32 @!p0 $0xF7A, s2;
	p2 =	seq.s32 @!p0 s5, $0x0  }
0x1f: {  	s9 =	smul.u32 $0xF7A, s1;
	s8 =	simm.s32 @!p0 $0x1BF5;
	p2 =	por !p2, p0  }
0x20: {  	[sflag:s8] =	ssyncset.s32 @!p0 $0xFFFFF086;
	s6 =	sadd.s32 @!p0 s3, s7;
	s7 =	simm.s32 @!p0 $0x108  }
0x21: {  	s3 =	sadd.s32 s3, s9;
	s6 =	sadd.s32 @!p0 $0x88, s6;
	s7 =	simm.s32 @p2 $0x1082  }
0x22: {  	[simem:s7], [sflag:s8] =	dma.local @!p0 [hbm:s6], $0xF7A  }
0x23: {  	s9 =	sor.u32 $0xD0000000, s2;
	s6 =	simm.s32 $0x108;
	_ =	swait.ge @!p0 [sflag:s8], $0x0  }
0x24: {  	s3 =	sadd.s32 $0x88, s3;
	s6 =	simm.s32 @!p1 $0x1082;
	[sflag:s4] =	ssyncset.s32 $0xFFFFF086  }
0x25: {  	[simem:s6], [sflag:s4] =	dma.local [hbm:s3], $0xF7A  }
0x26: {  	[smem:$0x3F9F] =	sst s1;
	(tag) =	ssettag s2;
	_ =	strace s9  }
0x27: {  	s1 =	sld [smem:$0x3FAF]  }
0x28: {  	s2 =	sld [smem:$0x3FB0]  }
0x29: {  	s4 =	sld [smem:$0x3FB2]  }
0x2a: {  	p0 =	seq.s32 s5, $0x0;
	s5 =	sld [smem:$0x3FB3]  }
0x2b: {  	s6 =	sld [smem:$0x3FB4]  }
0x2c: {  	s7 =	sld [smem:$0x3FB5]  }
0x2d: {  	s3 =	simm.s32 $0x108;
	s8 =	sld [smem:$0x3FB6]  }
0x2e: {  	s3 =	simm.s32 @!p0 $0x1082;
	s9 =	sld [smem:$0x3FB7]  }
0x2f: {  	lr =	sadd.s32 s0, s3;
	s0 =	sld [smem:$0x3FAE]  }
0x30: {  	s3 =	sld [smem:$0x3FB1]  }
0x31: {  	[smem:$0x3FBA] =	sst s10  }
0x32: {  	s10 =	sld [smem:$0x3FB8];
	_ =	sdelay $0x3  }
0x33: {  	p0 =	seq.s32 s10, $0x1;
	s10 =	sld [smem:$0x3FBA];
	_ =	sdelay $0x3  }
0x34: {  	[smem:$0x3FBA] =	sst s10  }
0x35: {  	s10 =	sld [smem:$0x3FB9];
	_ =	sdelay $0x3  }
0x36: {  	p1 =	seq.s32 s10, $0x1;
	s10 =	sld [smem:$0x3FBA];
	_ =	sdelay $0x3  }
0x37: {  	[smem:$0x3FBA] =	sst s10  }
0x38: {  	s10 =	sld [smem:$0x3FBB]  }
0x39: {  	_ = 	snop;
	(pc) =	sbr.ind lr, $3  }
0x3a: {  	_ = 	snop  }
0x3b: {  	_ = 	snop  }
0x3c: {  	p2 =	seq.s32 s10, $0x1;
	s10 =	sld [smem:$0x3FBA]  }
0x3d: {  	_ =	shalt  }
0x3e: {  	_ =	shalt  }
0x3f: {  	_ =	shalt  }
0x40: {  	_ =	shalt  }
0x41: {  	_ =	shalt  }
0x42: {  	_ =	shalt  }
0x43: {  	_ =	shalt  }
0x44: {  	_ =	shalt  }
0x45: {  	_ =	shalt  }
0x46: {  	_ =	shalt  }
0x47: {  	_ =	shalt  }
0x48: {  	_ =	shalt  }
0x49: {  	_ =	shalt  }
0x4a: {  	_ =	shalt  }
0x4b: {  	_ =	shalt  }
0x4c: {  	_ =	shalt  }
0x4d: {  	_ =	shalt  }
0x4e: {  	_ =	shalt  }
0x4f: {  	_ =	shalt  }
0x50: {  	_ =	shalt  }
0x51: {  	_ =	shalt  }
0x52: {  	_ =	shalt  }
0x53: {  	_ =	shalt  }
0x54: {  	_ =	shalt  }
0x55: {  	_ =	shalt  }
0x56: {  	_ =	shalt  }
0x57: {  	_ =	shalt  }
0x58: {  	_ =	shalt  }
0x59: {  	_ =	shalt  }
0x5a: {  	_ =	shalt  }
0x5b: {  	_ =	shalt  }
0x5c: {  	_ =	shalt  }
0x5d: {  	_ =	shalt  }
0x5e: {  	_ =	shalt  }
0x5f: {  	_ =	shalt  }
0x60: {  	_ =	shalt  }
0x61: {  	_ =	shalt  }
0x62: {  	_ =	shalt  }
0x63: {  	_ =	shalt  }
0x64: {  	_ =	shalt  }
0x65: {  	_ =	shalt  }
0x66: {  	_ =	shalt  }
0x67: {  	_ =	shalt  }
0x68: {  	_ =	shalt  }
0x69: {  	_ =	shalt  }
0x6a: {  	_ =	shalt  }
0x6b: {  	_ =	shalt  }
0x6c: {  	_ =	shalt  }
0x6d: {  	_ =	shalt  }
0x6e: {  	_ =	shalt  }
0x6f: {  	_ =	shalt  }
0x70: {  	_ =	shalt  }
0x71: {  	_ =	shalt  }
0x72: {  	_ =	shalt  }
0x73: {  	_ =	shalt  }
0x74: {  	_ =	shalt  }
0x75: {  	_ =	shalt  }
0x76: {  	_ =	shalt  }
0x77: {  	_ =	shalt  }
0x78: {  	_ =	shalt  }
0x79: {  	_ =	shalt  }
0x7a: {  	_ =	shalt  }
0x7b: {  	_ =	shalt  }
0x7c: {  	_ =	shalt  }
0x7d: {  	_ =	shalt  }
0x7e: {  	_ =	shalt  }
0x7f: {  	_ =	shalt  }
0x80: {  	_ =	shalt  }
0x81: {  	_ =	shalt  }
0x82: {  	_ =	shalt  }
0x83: {  	_ =	shalt  }
0x84: {  	_ =	shalt  }
0x85: {  	_ =	shalt  }
0x86: {  	_ =	shalt  }
0x87: {  	_ =	shalt  }
.Lfunc_end0:
.L_simem_size_0:
called_computation_lowered:
.L_overlay_start_0:
0x88: {  	s2 =	sld [smem:$0x3FD9]  }
0x89: {  	s3 =	sld [smem:$0x3FFE];
	_ =	sdelay $0x1  }
0x8a: {  	s1 =	srdreg.scid  }
0x8b: {  	s0 =	sand.u32 $0x1, s1  }
0x8c: {  	s17 =	sshll.u32 s0, $0xA;
	s2 =	sadd.s32 s3, s2  }
0x8d: {  	s2 =	sadd.s32 s2, s17  }
0x8e: {  	[smem:$0x3FC6] =	sst s2  }
0x8f: {  	_ = 	snop  }
0x90: {  	s2 =	sld [smem:$0x3FC8]  }
0x91: {  	s18 =	sld [smem:$0x3FD0];
	(tm) =	ssettm $0x1  }
0x92: {  	s4 =	sld [smem:$0x3FFB];
	_ =	sdelay $0x3  }
0x93: {  	_ =	strace s4  }
0x94: {  	s4 =	sld [smem:$0x3FFC];
	_ =	sdelay $0x3  }
0x95: {  	_ =	strace s4  }
0x96: {  	s4 =	sld [smem:$0x3FFD];
	_ =	sdelay $0x3  }
0x97: {  	_ =	strace s4  }
0x98: {  	_ =	strace $0x8FFFFFFF  }
0x99: {  	s19 =	sld [smem:$0x3FDB];
	_ =	sdelay $0x1  }
0x9a: {  	s5 =	simm.s32 $_scs_section_size  }
0x9b: {  	s6 =	simm.s32 $_size__tile_overlayer_lowered;
	s7 =	simm.s32 $_tile_overlayer_lowered  }
0x9c: {  	s22 =	simm.s32 $0x1BFF;
	s21 =	sshll.u32 s7, $0x1;
	s4 =	sadd.s32 s5, s19  }
0x9d: {  	s8 =	simm.s32 $0x0;
	s20 =	sshll.u32 s6, $0x1;
	s6 =	sadd.s32 s21, s4  }
0x9e: {  	[timem:s8], [sflag:s22] =	dma.local [hbm:s6], s20  }
0x9f: {  	_ =	swait.ge [sflag:s22], s20  }
0xa0: {  	s5 =	ssub.s32 $0x0, s20;
	[sflag:s22] =	ssyncset.done $0x0  }
0xa1: {  	[sflag:s22] =	ssyncadd.s32 s5;
	_ =	sdelay $0x1  }
0xa2: {  	s23 =	simm.s32 $0x1B8B  }
0xa3: {  	_ =	swait.ge [sflag:s23], $0x1  }
0xa4: {  	[sflag:s23] =	ssyncset.done $0x0  }
0xa5: {  	s25 =	simm.s32 $0x1B8E;
	s24 =	sld [smem:$0x3FFE];
	[sflag:s23] =	ssyncadd.s32 $0xFFFFFFFF  }
0xa6: {  	s26 =	simm.s32 $execute0_lowered;
	[smem:$0x3FD2] =	sst s25  }
0xa7: {  	s6 =	sshll.u32 s26, $0x1;
	_ =	strace $0x80000046;
	[dreg:$0x1] =	wrdreg $0xFFFFFFFF  }
0xa8: {  	s28 =	simm.s32 $_size_execute0_lowered;
	s4 =	sadd.s32 s4, s6;
	[dreg:$0x0] =	wrdreg $0x0  }
0xa9: {  	s6 =	sshll.u32 s28, $0x1;
	[dreg:$0x2] =	wrdreg s4  }
0xaa: {  	[dreg:$0x3] =	wrdreg s6  }
0xab: {  	[dreg:$0x4] =	wrdreg $0xC0  }
0xac: {  	_ =	task [dreg:s8], $0x5FFFF  }
0xad: {  	[dreg:$0x1] =	wrdreg $0xFFFFFFFF  }
0xae: {  	[dreg:$0x0] =	wrdreg $0x60  }
0xaf: {  	[dreg:$0x2] =	wrdreg s24  }
0xb0: {  	[dreg:$0x3] =	wrdreg s2  }
0xb1: {  	[dreg:$0x4] =	wrdreg s18  }
0xb2: {  	[dreg:$0x5] =	wrdreg $0x9  }
0xb3: {  	_ =	task.clear_ibuf [dreg:s8], $0x6FFFF;
	_ =	strace $0x90000046  }
0xb4: {  	s29 =	simm.s32 $0x9;
	_ =	strace $0x80000048  }
0xb5: {  	_ =	swait.ge [sflag:s29], $0x1  }
0xb6: {  	[sflag:s29] =	ssyncadd.s32 $0xFFFFFFFF  }
0xb7: {  	_ =	strace $0x90000048  }
0xb8: {  	_ =	sfence  }
0xb9: {  	s30 =	sld [smem:$0x0];
	_ =	sdelay $0x2  }
0xba: {  	s31 =	sshll.u32 s1, $0xD;
	s1 =	sshrl.u32 s1, $0x2  }
0xbb: {  	s3 =	sand.u32 $0x4000, s31;
	s1 =	sadd.s32 s1, s30  }
0xbc: {  	s0 =	sor.u32 s3, s0;
	s1 =	sshll.u32 s1, $0x11  }
0xbd: {  	s0 =	sor.u32 s1, s0  }
0xbe: {  	s0 =	sadd.s32 $0x8F2B, s0  }
0xbf: {  	[sflag:s0] =	ssyncadd.remote.s32 $0x1  }
0xc0: {  	_ =	sfence.sel $0xFFFF  }
0xc1: {  	[dreg:$0x0] =	wrdreg $0xFFFFFFFF;
	(pc) =	sbr.abs _section_cstart, $3  }
0xc2: {  	[dreg:$0x1] =	wrdreg $0xFFFFFFFF  }
0xc3: {  	_ =	task.clear_ibuf [dreg:s8], $0x2FFFF;
	_ =	strace $0x9FFFFFFF  }
0xc4: {  	(tm) =	ssettm $0x7FFFFFFF  }
0xc5: {  	_ =	shalt  }
tec
execute0_lowered:
.L_overlay_start_1:
0x0: {  	(tag) =	ssettag $0x1  }
0x1: {  	s1 =	srdreg.scid;
	s3 =	stileid.u32  }
0x2: {  	s1 =	sand.u32 $0x1, s1;
	s5 =	sshll.u32 s3, $0x1  }
0x3: {  	s5 =	sor.u32 s1, s5  }
0x4: {  	p0 =	sgt.u32 s5, $0x18  }
.Ltmp0:
0x5: {  	_ = 	snop;
	(pc) =	sbr.rel @p0 .LBB2_3-.Ltmp0, $4  }
0x6: {  	s0 =	rddreg [dreg:$0x0]  }
0x7: {  	s2 =	rddreg [dreg:$0x1];
	s3 =	simm.s32 $0x0  }
0x8: {  	[smem:$0x7FF] =	sst s3  }
0x9: {  	s4 =	rddreg [dreg:$0x2];
	_ =	strace $0x80000047  }
0xa: {  	s6 =	smul.u32 $0x41, s5;
	s0 =	sadd.s32 $0x400, s0  }
0xb: {  	s1 =	ssub.s32 $0x2, s1;
	s30 =	simm.s32 $0x80;
	s7 =	simm.s32 $0x400  }
0xc: {  	s8 =	simm.s32 $0x7A1400;
	s9 =	simm.s32 $0x100;
	s10 =	simm.s32 $0x2100  }
0xd: {  	s11 =	simm.s32 $0x4100;
	s12 =	simm.s32 $0x6100;
	s13 =	simm.s32 $0x8100  }
0xe: {  	s14 =	simm.s32 $0xA100;
	s15 =	simm.s32 $0xC100;
	s16 =	simm.s32 $0xE100  }
0xf: {  	s18 =	simm.s32 $0x3;
	s19 =	simm.s32 $0x4;
	s20 =	simm.s32 $0x5  }
0x10: {  	s21 =	simm.s32 $0x6;
	s22 =	simm.s32 $0x7;
	s23 =	simm.s32 $0x8  }
0x11: {  	s31 =	simm.s32 $0x10100;
	s24 =	simm.s32 $0x9;
	[dreg:$0x6] =	wrdreg s30  }
0x12: {  	v0 =	vlaneseq.u32;
	s25 =	simm.s32 $0xA;
	s26 =	sadd.s32 s0, s5;
	[dreg:$0x7] =	wrdreg s31  }
0x13: {  	s28 =	sshrl.u32 s1, $0x1;
	v0 =	vmul.u32 $0x80, v0;
	s4 =	sadd.s32 s4, s6;
	[dreg:$0x8] =	wrdreg s26  }
0x14: {  	vm0 =	vmmov $0x1;
	s29 =	sadd.s32 $0x19, s26;
	s0 =	ssub.s32 s1, s28;
	[dreg:$0x4] =	wrdreg s4  }
0x15: {  	s6 =	simm.s32 $0x1;
	[dreg:$0x5] =	wrdreg s29;
	s5 =	smax.u32 s0, $0x1;
	v1 =	vor.u32 $0x800, v0;
	v2 =	vor.u32 $0x1000, v0;
	v3 =	vor.u32 $0x1800, v0  }
.LBB2_2:
0x16: {  	s0 =	rddreg [dreg:$0x5]  }
0x17: {  	s4 =	rddreg [dreg:$0x8]  }
0x18: {  	[tilespmem:s3], [sflag:$0x1] =	stream.linear.gather [hbm4b:s4+s3], $0x8, $0x38;
	[tilespmem:$0x10380] =	vst v63  }
0x19: {  	s1 =	rddreg [dreg:$0x6]  }
0x1a: {  	[tilespmem:s1], [sflag:$0x1] =	stream.linear.gather [hbm4b:s0+s3], $0x8, $0x38;
	[tilespmem:$0x10380] =	vst v63  }
0x1b: {  	_ =	swait.ge [sflag:s6], $0x8  }
0x1c: {  	[sflag:s6] =	ssyncset.done $0x0  }
0x1d: {  	[sflag:s6] =	ssyncadd.s32 $0xFFFFFFF8  }
0x1e: {  	v4 =	vld [tilespmem:$0x0];
	_ =	sdelay $0x4  }
0x1f: {  	(v2sf) =	vpush v4, $0x0;
	_ =	sdelay $0xd  }
0x20: {  	(v2sf) =	vpush v4, $0x1  }
0x21: {  	s4 =	spop (v2sf)  }
0x22: {  	s28 =	sshra.s32 s4, $0x1F  }
0x23: {  	s0 =	sshrl.u32 s28, $0x19  }
0x24: {  	s0 =	sadd.s32 s0, s4  }
0x25: {  	s29 =	sand.u32 $0xFFFFFF80, s0  }
0x26: {  	p0 =	slt.s32 s4, $0x1;
	p1 =	sne.s32 s4, s29  }
0x27: {  	p0 =	por !p0, !p1  }
0x28: {  	s1 =	simm.s32 $0x1;
	p0 =	por !p0, !p0  }
0x29: {  	s0 =	sshrl.u32 s0, $0x7;
	s1 =	simm.s32 @!p0 $0x0  }
0x2a: {  	s0 =	ssub.s32 s0, s1  }
0x2b: {  	s0 =	sshll.u32 s0, $0x7  }
0x2c: {  	s0 =	sand.u32 $0x1FFFFF80, s0  }
0x2d: {  	s0 =	sadd.s32 s2, s0  }
0x2e: {  	(v2sf) =	vpush v4, $0x2;
	[tilespmem:s9], [sflag:$0x2] =	stream.strided.gather [hbm4b:s0+s7], $0x2000, s8, s7, $0x38;
	[tilespmem:$0x10380] =	vst v63  }
0x2f: {  	s0 =	spop (v2sf)  }
0x30: {  	s30 =	sshra.s32 s0, $0x1F  }
0x31: {  	s1 =	sshrl.u32 s30, $0x19  }
0x32: {  	s1 =	sadd.s32 s1, s0  }
0x33: {  	s26 =	sand.u32 $0xFFFFFF80, s1  }
0x34: {  	p5 =	slt.s32 s0, $0x1;
	p6 =	sne.s32 s0, s26  }
0x35: {  	p0 =	por !p5, !p6  }
0x36: {  	s26 =	simm.s32 $0x1;
	p0 =	por !p0, !p0  }
0x37: {  	s1 =	sshrl.u32 s1, $0x7;
	s26 =	simm.s32 @!p0 $0x0  }
0x38: {  	s1 =	ssub.s32 s1, s26  }
0x39: {  	(v2sf) =	vpush v4, $0x3;
	s1 =	sshll.u32 s1, $0x7  }
0x3a: {  	s1 =	sand.u32 $0x1FFFFF80, s1  }
0x3b: {  	s1 =	sadd.s32 s2, s1  }
0x3c: {  	[tilespmem:s10], [sflag:$0x3] =	stream.strided.gather [hbm4b:s1+s7], $0x2000, s8, s7, $0x38;
	[tilespmem:$0x10380] =	vst v63  }
0x3d: {  	s1 =	spop (v2sf)  }
0x3e: {  	s31 =	sshra.s32 s1, $0x1F  }
0x3f: {  	s26 =	sshrl.u32 s31, $0x19  }
0x40: {  	s26 =	sadd.s32 s26, s1  }
0x41: {  	s28 =	sand.u32 $0xFFFFFF80, s26  }
0x42: {  	p1 =	slt.s32 s1, $0x1;
	p2 =	sne.s32 s1, s28  }
0x43: {  	p0 =	por !p1, !p2  }
0x44: {  	s28 =	simm.s32 $0x1;
	p0 =	por !p0, !p0  }
0x45: {  	(v2sf) =	vpush v4, $0x4;
	s26 =	sshrl.u32 s26, $0x7;
	s28 =	simm.s32 @!p0 $0x0  }
0x46: {  	s26 =	ssub.s32 s26, s28  }
0x47: {  	s26 =	sshll.u32 s26, $0x7  }
0x48: {  	s31 =	spop (v2sf);
	s26 =	sand.u32 $0x1FFFFF80, s26  }
0x49: {  	s3 =	sshra.s32 s31, $0x1F;
	s26 =	sadd.s32 s2, s26  }
0x4a: {  	[tilespmem:s11], [sflag:$0x4] =	stream.strided.gather [hbm4b:s26+s7], $0x2000, s8, s7, $0x38;
	[tilespmem:$0x10380] =	vst v63  }
0x4b: {  	s26 =	sshrl.u32 s3, $0x19  }
0x4c: {  	s26 =	sadd.s32 s26, s31  }
0x4d: {  	s17 =	sand.u32 $0xFFFFFF80, s26  }
0x4e: {  	p3 =	slt.s32 s31, $0x1;
	p4 =	sne.s32 s31, s17  }
0x4f: {  	p0 =	por !p3, !p4  }
0x50: {  	s28 =	simm.s32 $0x1;
	p0 =	por !p0, !p0  }
0x51: {  	(v2sf) =	vpush v4, $0x5;
	s26 =	sshrl.u32 s26, $0x7;
	s28 =	simm.s32 @!p0 $0x0  }
0x52: {  	s26 =	ssub.s32 s26, s28  }
0x53: {  	s26 =	sshll.u32 s26, $0x7  }
0x54: {  	s30 =	spop (v2sf);
	s26 =	sand.u32 $0x1FFFFF80, s26  }
0x55: {  	s28 =	sshra.s32 s30, $0x1F;
	s26 =	sadd.s32 s2, s26  }
0x56: {  	[tilespmem:s12], [sflag:$0x5] =	stream.strided.gather [hbm4b:s26+s7], $0x2000, s8, s7, $0x38;
	[tilespmem:$0x10380] =	vst v63  }
0x57: {  	s26 =	sshrl.u32 s28, $0x19  }
0x58: {  	s26 =	sadd.s32 s26, s30  }
0x59: {  	s29 =	sand.u32 $0xFFFFFF80, s26  }
0x5a: {  	p5 =	slt.s32 s30, $0x1;
	p6 =	sne.s32 s30, s29  }
0x5b: {  	p0 =	por !p5, !p6  }
0x5c: {  	s28 =	simm.s32 $0x1;
	p0 =	por !p0, !p0  }
0x5d: {  	(v2sf) =	vpush v4, $0x6;
	s26 =	sshrl.u32 s26, $0x7;
	s28 =	simm.s32 @!p0 $0x0  }
0x5e: {  	s26 =	ssub.s32 s26, s28  }
0x5f: {  	s26 =	sshll.u32 s26, $0x7  }
0x60: {  	s29 =	spop (v2sf);
	s26 =	sand.u32 $0x1FFFFF80, s26  }
0x61: {  	s3 =	sshra.s32 s29, $0x1F;
	s26 =	sadd.s32 s2, s26  }
0x62: {  	[tilespmem:s13], [sflag:$0x6] =	stream.strided.gather [hbm4b:s26+s7], $0x2000, s8, s7, $0x38;
	[tilespmem:$0x10380] =	vst v63  }
0x63: {  	s26 =	sshrl.u32 s3, $0x19  }
0x64: {  	s26 =	sadd.s32 s26, s29  }
0x65: {  	s17 =	sand.u32 $0xFFFFFF80, s26  }
0x66: {  	p1 =	slt.s32 s29, $0x1;
	p2 =	sne.s32 s29, s17  }
0x67: {  	p0 =	por !p1, !p2  }
0x68: {  	s28 =	simm.s32 $0x1;
	p0 =	por !p0, !p0  }
0x69: {  	s26 =	sshrl.u32 s26, $0x7;
	s28 =	simm.s32 @!p0 $0x0  }
0x6a: {  	s26 =	ssub.s32 s26, s28  }
0x6b: {  	s26 =	sshll.u32 s26, $0x7  }
0x6c: {  	s28 =	spop (v2sf);
	(v2sf) =	vpush v4, $0x7;
	s26 =	sand.u32 $0x1FFFFF80, s26  }
0x6d: {  	s3 =	sshra.s32 s28, $0x1F;
	s26 =	sadd.s32 s2, s26  }
0x6e: {  	[tilespmem:s14], [sflag:$0x7] =	stream.strided.gather [hbm4b:s26+s7], $0x2000, s8, s7, $0x38;
	[tilespmem:$0x10380] =	vst v63  }
0x6f: {  	s26 =	sshrl.u32 s3, $0x19  }
0x70: {  	s26 =	sadd.s32 s26, s28  }
0x71: {  	s17 =	sand.u32 $0xFFFFFF80, s26  }
0x72: {  	p3 =	slt.s32 s28, $0x1;
	p4 =	sne.s32 s28, s17  }
0x73: {  	p0 =	por !p3, !p4  }
0x74: {  	s3 =	simm.s32 $0x1;
	p0 =	por !p0, !p0  }
0x75: {  	s26 =	sshrl.u32 s26, $0x7;
	s3 =	simm.s32 @!p0 $0x0  }
0x76: {  	s3 =	ssub.s32 s26, s3  }
0x77: {  	s3 =	sshll.u32 s3, $0x7  }
0x78: {  	s3 =	sand.u32 $0x1FFFFF80, s3  }
0x79: {  	s3 =	sadd.s32 s2, s3  }
0x7a: {  	[tilespmem:s15], [sflag:$0x8] =	stream.strided.gather [hbm4b:s3+s7], $0x2000, s8, s7, $0x38;
	[tilespmem:$0x10380] =	vst v63  }
0x7b: {  	s26 =	spop (v2sf)  }
0x7c: {  	s17 =	sshra.s32 s26, $0x1F  }
0x7d: {  	s3 =	sshrl.u32 s17, $0x19  }
0x7e: {  	s3 =	sadd.s32 s3, s26  }
0x7f: {  	s17 =	sand.u32 $0xFFFFFF80, s3  }
0x80: {  	p5 =	slt.s32 s26, $0x1;
	p6 =	sne.s32 s26, s17  }
0x81: {  	p0 =	por !p5, !p6  }
0x82: {  	s17 =	simm.s32 $0x1;
	p0 =	por !p0, !p0  }
0x83: {  	s3 =	sshrl.u32 s3, $0x7;
	s17 =	simm.s32 @!p0 $0x0  }
0x84: {  	s3 =	ssub.s32 s3, s17  }
0x85: {  	s3 =	sshll.u32 s3, $0x7  }
0x86: {  	s3 =	sand.u32 $0x1FFFFF80, s3  }
0x87: {  	s3 =	sadd.s32 s2, s3  }
0x88: {  	[tilespmem:s16], [sflag:$0x9] =	stream.strided.gather [hbm4b:s3+s7], $0x2000, s8, s7, $0x38;
	[tilespmem:$0x10380] =	vst v63  }
0x89: {  	s3 =	sand.u32 $0x7F, s4;
	_ =	swait.ge [sflag:s6], $0x8  }
0x8a: {  	v4 =	vor.u32 s3, v0;
	[sflag:s6] =	ssyncset.done $0x0  }
0x8b: {  	s17 =	simm.s32 $0x2;
	[sflag:s6] =	ssyncadd.s32 $0xFFFFFFF8  }
0x8c: {  	v5 =	vld [tilespmem:$0x80];
	_ =	swait.ge [sflag:s17], $0x2000  }
0x8d: {  	[sflag:s17] =	ssyncset.done $0x0  }
0x8e: {  	[sflag:s17] =	ssyncadd.s32 $0xFFFFE000  }
0x8f: {  	v4 =	vld.idx.msk [tilespmem:v4+s9+$0x0], $0xffff  }
0x90: {  	v6 =	vor.u32 s3, v1;
	_ =	sdelay $0x3  }
0x91: {  	[tilespmem:$0x10100] =	vst v4  }
0x92: {  	v4 =	vld.idx.msk [tilespmem:v6+s9+$0x0], $0xffff  }
0x93: {  	v21 =	vor.u32 s3, v2;
	_ =	sdelay $0x3  }
0x94: {  	[tilespmem:$0x10110] =	vst v4  }
0x95: {  	v4 =	vld.idx.msk [tilespmem:v21+s9+$0x0], $0xffff  }
0x96: {  	v22 =	vor.u32 s3, v3;
	_ =	sdelay $0x2  }
0x97: {  	v7 =	vld [tilespmem:$0x10140]  }
0x98: {  	[tilespmem:$0x10120] =	vst v4  }
0x99: {  	v6 =	vld.idx.msk [tilespmem:v22+s9+$0x0], $0xffff  }
0x9a: {  	v4 =	vcvt.s32.f32 v5;
	_ =	sdelay $0x1  }
0x9b: {  	s0 =	sand.u32 $0x7F, s0;
	v5 =	vsel vm0, v4, v7  }
0x9c: {  	v23 =	vor.u32 s0, v0;
	[tilespmem:$0x10140] =	vst v5  }
0x9d: {  	[tilespmem:$0x10130] =	vst v6  }
0x9e: {  	_ =	swait.ge [sflag:s18], $0x2000  }
0x9f: {  	[sflag:s18] =	ssyncset.done $0x0  }
0xa0: {  	[sflag:s18] =	ssyncadd.s32 $0xFFFFE000  }
0xa1: {  	v5 =	vld.idx.msk [tilespmem:v23+s10+$0x0], $0xffff  }
0xa2: {  	v24 =	vor.u32 s0, v1;
	_ =	sdelay $0x3  }
0xa3: {  	[tilespmem:$0x10141] =	vst v5  }
0xa4: {  	v5 =	vld.idx.msk [tilespmem:v24+s10+$0x0], $0xffff  }
0xa5: {  	v25 =	vor.u32 s0, v2;
	_ =	sdelay $0x3  }
0xa6: {  	[tilespmem:$0x10151] =	vst v5  }
0xa7: {  	v5 =	vld.idx.msk [tilespmem:v25+s10+$0x0], $0xffff  }
0xa8: {  	v26 =	vor.u32 s0, v3;
	_ =	sdelay $0x3  }
0xa9: {  	v27 =	vld [tilespmem:$0x10181];
	[tilespmem:$0x10161] =	vst v5  }
0xaa: {  	v5 =	vld.idx.msk [tilespmem:v26+s10+$0x0], $0xffff;
	_ =	sdelay $0x2  }
0xab: {  	v28 =	vbroadcast v4, $0x1  }
0xac: {  	s17 =	sand.u32 $0x7F, s1  }
0xad: {  	v29 =	vor.u32 s17, v0;
	[tilespmem:$0x10171] =	vst v5;
	v5 =	vsel vm0, v28, v27  }
0xae: {  	[tilespmem:$0x10181] =	vst v5  }
0xaf: {  	_ =	swait.ge [sflag:s19], $0x2000  }
0xb0: {  	[sflag:s19] =	ssyncset.done $0x0  }
0xb1: {  	[sflag:s19] =	ssyncadd.s32 $0xFFFFE000  }
0xb2: {  	v5 =	vld.idx.msk [tilespmem:v29+s11+$0x0], $0xffff  }
0xb3: {  	v30 =	vor.u32 s17, v1;
	_ =	sdelay $0x3  }
0xb4: {  	[tilespmem:$0x10182] =	vst v5  }
0xb5: {  	v5 =	vld.idx.msk [tilespmem:v30+s11+$0x0], $0xffff  }
0xb6: {  	v31 =	vor.u32 s17, v2;
	_ =	sdelay $0x3  }
0xb7: {  	[tilespmem:$0x10192] =	vst v5  }
0xb8: {  	v5 =	vld.idx.msk [tilespmem:v31+s11+$0x0], $0xffff  }
0xb9: {  	v32 =	vor.u32 s17, v3;
	_ =	sdelay $0x3  }
0xba: {  	v33 =	vld [tilespmem:$0x101C2];
	[tilespmem:$0x101A2] =	vst v5  }
0xbb: {  	v5 =	vld.idx.msk [tilespmem:v32+s11+$0x0], $0xffff;
	_ =	sdelay $0x2  }
0xbc: {  	v34 =	vbroadcast v4, $0x2  }
0xbd: {  	s1 =	sand.u32 $0x7F, s31  }
0xbe: {  	v35 =	vor.u32 s1, v0;
	[tilespmem:$0x101B2] =	vst v5;
	v5 =	vsel vm0, v34, v33  }
0xbf: {  	[tilespmem:$0x101C2] =	vst v5  }
0xc0: {  	_ =	swait.ge [sflag:s20], $0x2000  }
0xc1: {  	[sflag:s20] =	ssyncset.done $0x0  }
0xc2: {  	[sflag:s20] =	ssyncadd.s32 $0xFFFFE000  }
0xc3: {  	v5 =	vld.idx.msk [tilespmem:v35+s12+$0x0], $0xffff  }
0xc4: {  	v36 =	vor.u32 s1, v1;
	_ =	sdelay $0x3  }
0xc5: {  	[tilespmem:$0x101C3] =	vst v5  }
0xc6: {  	v5 =	vld.idx.msk [tilespmem:v36+s12+$0x0], $0xffff  }
0xc7: {  	v37 =	vor.u32 s1, v2;
	_ =	sdelay $0x3  }
0xc8: {  	[tilespmem:$0x101D3] =	vst v5  }
0xc9: {  	v5 =	vld.idx.msk [tilespmem:v37+s12+$0x0], $0xffff  }
0xca: {  	v38 =	vor.u32 s1, v3;
	_ =	sdelay $0x3  }
0xcb: {  	v39 =	vld [tilespmem:$0x10203];
	[tilespmem:$0x101E3] =	vst v5  }
0xcc: {  	v5 =	vld.idx.msk [tilespmem:v38+s12+$0x0], $0xffff;
	_ =	sdelay $0x2  }
0xcd: {  	v40 =	vbroadcast v4, $0x3  }
0xce: {  	s4 =	sand.u32 $0x7F, s30  }
0xcf: {  	v41 =	vor.u32 s4, v0;
	[tilespmem:$0x101F3] =	vst v5;
	v5 =	vsel vm0, v40, v39  }
0xd0: {  	[tilespmem:$0x10203] =	vst v5  }
0xd1: {  	_ =	swait.ge [sflag:s21], $0x2000  }
0xd2: {  	[sflag:s21] =	ssyncset.done $0x0  }
0xd3: {  	[sflag:s21] =	ssyncadd.s32 $0xFFFFE000  }
0xd4: {  	v5 =	vld.idx.msk [tilespmem:v41+s13+$0x0], $0xffff  }
0xd5: {  	v42 =	vor.u32 s4, v1;
	_ =	sdelay $0x3  }
0xd6: {  	[tilespmem:$0x10204] =	vst v5  }
0xd7: {  	v5 =	vld.idx.msk [tilespmem:v42+s13+$0x0], $0xffff  }
0xd8: {  	v43 =	vor.u32 s4, v2;
	_ =	sdelay $0x3  }
0xd9: {  	[tilespmem:$0x10214] =	vst v5  }
0xda: {  	v5 =	vld.idx.msk [tilespmem:v43+s13+$0x0], $0xffff  }
0xdb: {  	v44 =	vor.u32 s4, v3;
	_ =	sdelay $0x3  }
0xdc: {  	v45 =	vld [tilespmem:$0x10244];
	[tilespmem:$0x10224] =	vst v5  }
0xdd: {  	v5 =	vld.idx.msk [tilespmem:v44+s13+$0x0], $0xffff;
	_ =	sdelay $0x2  }
0xde: {  	v46 =	vbroadcast v4, $0x4  }
0xdf: {  	s17 =	sand.u32 $0x7F, s29  }
0xe0: {  	v47 =	vor.u32 s17, v0;
	[tilespmem:$0x10234] =	vst v5;
	v5 =	vsel vm0, v46, v45  }
0xe1: {  	[tilespmem:$0x10244] =	vst v5  }
0xe2: {  	_ =	swait.ge [sflag:s22], $0x2000  }
0xe3: {  	[sflag:s22] =	ssyncset.done $0x0  }
0xe4: {  	[sflag:s22] =	ssyncadd.s32 $0xFFFFE000  }
0xe5: {  	v5 =	vld.idx.msk [tilespmem:v47+s14+$0x0], $0xffff  }
0xe6: {  	v48 =	vor.u32 s17, v1;
	_ =	sdelay $0x3  }
0xe7: {  	[tilespmem:$0x10245] =	vst v5  }
0xe8: {  	v5 =	vld.idx.msk [tilespmem:v48+s14+$0x0], $0xffff  }
0xe9: {  	v49 =	vor.u32 s17, v2;
	_ =	sdelay $0x3  }
0xea: {  	[tilespmem:$0x10255] =	vst v5  }
0xeb: {  	v5 =	vld.idx.msk [tilespmem:v49+s14+$0x0], $0xffff  }
0xec: {  	v50 =	vor.u32 s17, v3;
	_ =	sdelay $0x3  }
0xed: {  	v51 =	vld [tilespmem:$0x10285];
	[tilespmem:$0x10265] =	vst v5  }
0xee: {  	v5 =	vld.idx.msk [tilespmem:v50+s14+$0x0], $0xffff;
	_ =	sdelay $0x2  }
0xef: {  	v52 =	vbroadcast v4, $0x5  }
0xf0: {  	s28 =	sand.u32 $0x7F, s28  }
0xf1: {  	v53 =	vor.u32 s28, v0;
	[tilespmem:$0x10275] =	vst v5;
	v5 =	vsel vm0, v52, v51  }
0xf2: {  	[tilespmem:$0x10285] =	vst v5  }
0xf3: {  	_ =	swait.ge [sflag:s23], $0x2000  }
0xf4: {  	[sflag:s23] =	ssyncset.done $0x0  }
0xf5: {  	[sflag:s23] =	ssyncadd.s32 $0xFFFFE000  }
0xf6: {  	v5 =	vld.idx.msk [tilespmem:v53+s15+$0x0], $0xffff  }
0xf7: {  	v54 =	vor.u32 s28, v1;
	_ =	sdelay $0x3  }
0xf8: {  	[tilespmem:$0x10286] =	vst v5  }
0xf9: {  	v5 =	vld.idx.msk [tilespmem:v54+s15+$0x0], $0xffff  }
0xfa: {  	v55 =	vor.u32 s28, v2;
	_ =	sdelay $0x3  }
0xfb: {  	[tilespmem:$0x10296] =	vst v5  }
0xfc: {  	v5 =	vld.idx.msk [tilespmem:v55+s15+$0x0], $0xffff  }
0xfd: {  	v56 =	vor.u32 s28, v3;
	_ =	sdelay $0x3  }
0xfe: {  	v57 =	vld [tilespmem:$0x102C6];
	[tilespmem:$0x102A6] =	vst v5  }
0xff: {  	v5 =	vld.idx.msk [tilespmem:v56+s15+$0x0], $0xffff;
	_ =	sdelay $0x2  }
0x100: {  	v58 =	vbroadcast v4, $0x6  }
0x101: {  	s29 =	sand.u32 $0x7F, s26  }
0x102: {  	v59 =	vor.u32 s29, v0;
	[tilespmem:$0x102B6] =	vst v5;
	v5 =	vsel vm0, v58, v57  }
0x103: {  	[tilespmem:$0x102C6] =	vst v5  }
0x104: {  	_ =	swait.ge [sflag:s24], $0x2000  }
0x105: {  	[sflag:s24] =	ssyncset.done $0x0  }
0x106: {  	[sflag:s24] =	ssyncadd.s32 $0xFFFFE000  }
0x107: {  	v5 =	vld.idx.msk [tilespmem:v59+s16+$0x0], $0xffff  }
0x108: {  	v60 =	vor.u32 s29, v1;
	_ =	sdelay $0x3  }
0x109: {  	[tilespmem:$0x102C7] =	vst v5  }
0x10a: {  	v5 =	vld.idx.msk [tilespmem:v60+s16+$0x0], $0xffff  }
0x10b: {  	v61 =	vor.u32 s29, v2;
	_ =	sdelay $0x3  }
0x10c: {  	[tilespmem:$0x102D7] =	vst v5  }
0x10d: {  	v5 =	vld.idx.msk [tilespmem:v61+s16+$0x0], $0xffff  }
0x10e: {  	v62 =	vor.u32 s29, v3;
	_ =	sdelay $0x2  }
0x10f: {  	v63 =	vld [tilespmem:$0x10307]  }
0x110: {  	[tilespmem:$0x102E7] =	vst v5  }
0x111: {  	v5 =	vld.idx.msk [tilespmem:v62+s16+$0x0], $0xffff  }
0x112: {  	v4 =	vbroadcast v4, $0x7;
	_ =	sdelay $0x1  }
0x113: {  	v4 =	vsel vm0, v4, v63  }
0x114: {  	p0 =	sne.s32 s5, $0x1;
	s30 =	rddreg [dreg:$0x4];
	[tilespmem:$0x10307] =	vst v4  }
.Ltmp1:
0x115: {  	s3 =	simm.s32 $0x0;
	s31 =	rddreg [dreg:$0x7];
	[tilespmem:$0x102F7] =	vst v5;
	(pc) =	sbr.rel @p0 .LBB2_2-.Ltmp1, $4  }
0x116: {  	[hbm4b:s30+s3] =	stream.linear.scatter [tilespmem:s31], [sflag:$0xA], $0x208, $0x38;
	[tilespmem:$0x10380] =	vst v63  }
0x117: {  	_ =	swait.ge [sflag:s25], $0x208  }
0x118: {  	[sflag:s25] =	ssyncset.done $0x0  }
0x119: {  	s5 =	sadd.s32 $0xFFFFFFFF, s5;
	[sflag:s25] =	ssyncadd.s32 $0xFFFFFDF8  }
.LBB2_3:
0x11a: {  	_ =	sfence.sel $0x180000  }
0x11b: {  	[bflag:$0x0] =	sbarrier.arrive $0xFFFF  }
0x11c: {  	_ =	strace $0x90000047  }
0x11d: {  	s0 =	stileid.u32;
	[bflag:$0x2] =	sbarrier.arrive $0xFFFF  }
0x11e: {  	p0 =	sne.s32 s0, $0x0;
	s0 =	rddreg [dreg:$0x3]  }
0x11f: {  	s0 =	sadd.s32 @!p0 $0x100000, s0  }
0x120: {  	[sflag:s0] =	ssyncadd.tile.s32 @!p0 $0x1;
	_ =	shalt  }
.Lfunc_end2:
_tile_overlayer_lowered:
.L_overlay_start_2:
0x121: {  	(tag) =	ssettag $0x2  }
0x122: {  	s0 =	rddreg [dreg:$0x0];
	s2 =	stileid.u32  }
0x123: {  	s1 =	rddreg [dreg:$0x1];
	p0 =	sne.s32 s2, $0x0  }
0x124: {  	s3 =	rddreg [dreg:$0x2];
	[bflag:$0x3] =	sbarrier.arrive $0xFFFF;
	s2 =	simm.s32 @!p0 $0x1C0A  }
0x125: {  	[timem:s3], [sflag:s2] =	dma.local @!p0 [hbm:s0], s1  }
0x126: {  	s0 =	simm.s32 @!p0 $0xA  }
0x127: {  	_ =	swait.ge @!p0 [sflag:s0], s1  }
0x128: {  	s1 =	ssub.s32 @!p0 $0x0, s1;
	[sflag:s0] =	ssyncset.done @!p0 $0x0  }
0x129: {  	[sflag:s0] =	ssyncadd.s32 @!p0 s1  }
0x12a: {  	[bflag:$0x3] =	sbarrier.arrive $0xFFFF  }
0x12b: {  	_ =	shalt  }

</sc_bundles>
